<compile_context>
chip_gen: v7x
topology: tpu7x:2x2x1
jax: 0.10.2.dev20260603
libtpu: 0.0.44.dev20260713+nightly
codegen_flags: <defaults>
</compile_context>

<pallas_src>
import functools

import jax
import jax.numpy as jnp
from jax import lax
from jax.experimental import pallas as pl
from jax.experimental.pallas import tpu as pltpu
from jax.experimental.pallas import tpu_sc as plsc

V, D, B = 8192, 1024, 4096
_info = plsc.get_sparse_core_info()
NC, NS = _info.num_cores, _info.num_subcores
NW = NC * NS
B_PER_W = B // NW
CH = 8
NCHUNK = B_PER_W // CH
NB = 15


def _gather_kernel(table_hbm, idx_hbm, out_hbm, idx_v, *rest):
    vbufs = rest[:NB]
    gsems = rest[NB:2 * NB]
    osems = rest[2 * NB:3 * NB]
    cid = lax.axis_index("c")
    sid = lax.axis_index("s")
    wid = sid * NC + cid
    base = wid * B_PER_W
    pltpu.sync_copy(idx_hbm.at[pl.ds(base, B_PER_W)], idx_v)

    G = [None] * NCHUNK
    O = [None] * NCHUNK
    for i in range(NB):
        G[i] = pltpu.async_copy(
            table_hbm.at[idx_v.at[pl.ds(i * CH, CH)]], vbufs[i], gsems[i])
    LAG = 2
    for i in range(NCHUNK):
        b = i % NB
        G[i].wait()
        O[i] = pltpu.async_copy(
            vbufs[b], out_hbm.at[pl.ds(base + i * CH, CH)], osems[b])
        j = i - LAG
        if j >= 0 and j + NB < NCHUNK:
            O[j].wait()
            G[j + NB] = pltpu.async_copy(
                table_hbm.at[idx_v.at[pl.ds((j + NB) * CH, CH)]],
                vbufs[j % NB], gsems[j % NB])
    for i in range(NCHUNK):
        if i + NB >= NCHUNK or i > NCHUNK - 1 - LAG:
            O[i].wait()


@jax.jit
def _gather(table, idx):
    k = functools.partial(
        pl.kernel,
        mesh=plsc.VectorSubcoreMesh(core_axis_name="c", subcore_axis_name="s"),
        out_type=jax.ShapeDtypeStruct((B, D), jnp.float32),
        scratch_types=[pltpu.VMEM((B_PER_W,), jnp.int32)]
        + [pltpu.VMEM((CH, D), jnp.float32)] * NB
        + [pltpu.SemaphoreType.DMA] * (2 * NB),
    )(_gather_kernel)
    return k(table, idx)


def kernel(hidden_state, word_indices):
    table = hidden_state.reshape(V, D)
    idx = word_indices.astype(jnp.int32)
    out = _gather(table, idx)
    return out.reshape(1, B, D)

# --- scband reference (transcript-rebuilt; emitter-appended) ---
"""Pipeline reference for scband-token-gather-wrapper-20444044329440 (READ-ONLY COPY).

The authoritative reference and input builder live on the scoring server;
editing this copy changes nothing except your own understanding.
"""

import jax, jax.numpy as jnp
import numpy as np

def setup_inputs(seed: int = 0) -> dict:
    key = jax.random.key(seed)
    k1, k2 = jax.random.split(key)
    hidden_state = jax.random.normal(k1, (1, 8192, 1024), dtype=jnp.float32)
    word_indices = jax.random.randint(k2, (4096,), 0, 8192, dtype=jnp.int64 if jax.config.jax_enable_x64 else jnp.int32)
    return {"hidden_state": hidden_state, "word_indices": word_indices}

def reference(hidden_state, word_indices):
    # Faithful translation of hidden_state[:, word_indices, :]
    return jnp.take(hidden_state, word_indices, axis=1)

if __name__ == "__main__":
    import jax
    _d = setup_inputs()
    print(jax.jit(kernel)(*tuple(_d.values())))

</pallas_src>

<mosaic_0001>
#map = affine_map<(d0, d1) -> (0, 0)>
#map1 = affine_map<(d0, d1) -> (0)>
module attributes {stable_mosaic.version = 14 : i64} {
  func.func @_gather_kernel(%arg0: i32, %arg1: i32, %arg2: memref<8192x1024xf32, #tpu.memory_space<hbm>>, %arg3: memref<4096xi32, #tpu.memory_space<hbm>>, %arg4: memref<4096x1024xf32, #tpu.memory_space<hbm>>, %arg5: memref<128xi32, #tpu.memory_space<vmem>>, %arg6: memref<8x1024xf32, #tpu.memory_space<vmem>>, %arg7: memref<8x1024xf32, #tpu.memory_space<vmem>>, %arg8: memref<8x1024xf32, #tpu.memory_space<vmem>>, %arg9: memref<8x1024xf32, #tpu.memory_space<vmem>>, %arg10: memref<8x1024xf32, #tpu.memory_space<vmem>>, %arg11: memref<8x1024xf32, #tpu.memory_space<vmem>>, %arg12: memref<8x1024xf32, #tpu.memory_space<vmem>>, %arg13: memref<8x1024xf32, #tpu.memory_space<vmem>>, %arg14: memref<8x1024xf32, #tpu.memory_space<vmem>>, %arg15: memref<8x1024xf32, #tpu.memory_space<vmem>>, %arg16: memref<8x1024xf32, #tpu.memory_space<vmem>>, %arg17: memref<8x1024xf32, #tpu.memory_space<vmem>>, %arg18: memref<8x1024xf32, #tpu.memory_space<vmem>>, %arg19: memref<8x1024xf32, #tpu.memory_space<vmem>>, %arg20: memref<8x1024xf32, #tpu.memory_space<vmem>>, %arg21: memref<!tpu.dma_semaphore, #tpu.memory_space<semaphore_mem>>, %arg22: memref<!tpu.dma_semaphore, #tpu.memory_space<semaphore_mem>>, %arg23: memref<!tpu.dma_semaphore, #tpu.memory_space<semaphore_mem>>, %arg24: memref<!tpu.dma_semaphore, #tpu.memory_space<semaphore_mem>>, %arg25: memref<!tpu.dma_semaphore, #tpu.memory_space<semaphore_mem>>, %arg26: memref<!tpu.dma_semaphore, #tpu.memory_space<semaphore_mem>>, %arg27: memref<!tpu.dma_semaphore, #tpu.memory_space<semaphore_mem>>, %arg28: memref<!tpu.dma_semaphore, #tpu.memory_space<semaphore_mem>>, %arg29: memref<!tpu.dma_semaphore, #tpu.memory_space<semaphore_mem>>, %arg30: memref<!tpu.dma_semaphore, #tpu.memory_space<semaphore_mem>>, %arg31: memref<!tpu.dma_semaphore, #tpu.memory_space<semaphore_mem>>, %arg32: memref<!tpu.dma_semaphore, #tpu.memory_space<semaphore_mem>>, %arg33: memref<!tpu.dma_semaphore, #tpu.memory_space<semaphore_mem>>, %arg34: memref<!tpu.dma_semaphore, #tpu.memory_space<semaphore_mem>>, %arg35: memref<!tpu.dma_semaphore, #tpu.memory_space<semaphore_mem>>, %arg36: memref<!tpu.dma_semaphore, #tpu.memory_space<semaphore_mem>>, %arg37: memref<!tpu.dma_semaphore, #tpu.memory_space<semaphore_mem>>, %arg38: memref<!tpu.dma_semaphore, #tpu.memory_space<semaphore_mem>>, %arg39: memref<!tpu.dma_semaphore, #tpu.memory_space<semaphore_mem>>, %arg40: memref<!tpu.dma_semaphore, #tpu.memory_space<semaphore_mem>>, %arg41: memref<!tpu.dma_semaphore, #tpu.memory_space<semaphore_mem>>, %arg42: memref<!tpu.dma_semaphore, #tpu.memory_space<semaphore_mem>>, %arg43: memref<!tpu.dma_semaphore, #tpu.memory_space<semaphore_mem>>, %arg44: memref<!tpu.dma_semaphore, #tpu.memory_space<semaphore_mem>>, %arg45: memref<!tpu.dma_semaphore, #tpu.memory_space<semaphore_mem>>, %arg46: memref<!tpu.dma_semaphore, #tpu.memory_space<semaphore_mem>>, %arg47: memref<!tpu.dma_semaphore, #tpu.memory_space<semaphore_mem>>, %arg48: memref<!tpu.dma_semaphore, #tpu.memory_space<semaphore_mem>>, %arg49: memref<!tpu.dma_semaphore, #tpu.memory_space<semaphore_mem>>, %arg50: memref<!tpu.dma_semaphore, #tpu.memory_space<semaphore_mem>>) attributes {dimension_semantics = [#tpu.dimension_semantics<core_parallel>, #tpu.dimension_semantics<subcore_parallel>], iteration_bounds = array<i64: 2, 16>, scalar_prefetch = 0 : i64, scratch_operands = 46 : i64, tpu.core_type = #tpu.core_type<sc_vector_subcore>, window_params = [{transform_indices = #map}, {transform_indices = #map1}, {transform_indices = #map}]} {
    %mul3A = arith.constant 2 : i32
    %mul3A_0 = arith.muli %arg1, %mul3A : i32
    %add3A = arith.addi %mul3A_0, %arg0 : i32
    %mul3A_1 = arith.constant 128 : i32
    %mul3A_2 = arith.muli %add3A, %mul3A_1 : i32
    "tpu.region"() ({
      %run_scoped3A = tpu.sem_alloc : memref<!tpu.dma_semaphore, #tpu.memory_space<semaphore_mem>>
      %dma_start3A_321 = tpu.memref_slice %arg3[%mul3A_2] : memref<4096xi32, #tpu.memory_space<hbm>> -> memref<128xi32, #tpu.memory_space<hbm>>
      %dma_start3A_322 = tpu.memref_slice %arg3[%mul3A_2] : memref<4096xi32, #tpu.memory_space<hbm>> -> memref<128xi32, #tpu.memory_space<hbm>>
      tpu.enqueue_dma source(%dma_start3A_322 : memref<128xi32, #tpu.memory_space<hbm>>) target(%arg5 : memref<128xi32, #tpu.memory_space<vmem>>) target_semaphore(%run_scoped3A : memref<!tpu.dma_semaphore, #tpu.memory_space<semaphore_mem>>)
      %dma_wait3A_323 = tpu.memref_slice %arg3[%mul3A_2] : memref<4096xi32, #tpu.memory_space<hbm>> -> memref<128xi32, #tpu.memory_space<hbm>>
      %dma_wait3A_324 = tpu.memref_slice %arg3[%mul3A_2] : memref<4096xi32, #tpu.memory_space<hbm>> -> memref<128xi32, #tpu.memory_space<hbm>>
      tpu.wait_dma2 semaphore(%run_scoped3A : memref<!tpu.dma_semaphore, #tpu.memory_space<semaphore_mem>>) src(%dma_wait3A_324 : memref<128xi32, #tpu.memory_space<hbm>>) dst(%arg5 : memref<128xi32, #tpu.memory_space<vmem>>)
      tpu.yield
    }) : () -> ()
    %dma_start3A = arith.constant 0 : i32
    %dma_start3A_3 = tpu.memref_slice %arg5[%dma_start3A] : memref<128xi32, #tpu.memory_space<vmem>> -> memref<8xi32, #tpu.memory_space<vmem>>
    %dma_start3A_4 = arith.constant 0 : i32
    %dma_start3A_5 = arith.constant 0 : i32
    %dma_start3A_6 = tpu.memref_slice %arg2[%dma_start3A_4, %dma_start3A_5] : memref<8192x1024xf32, #tpu.memory_space<hbm>> -> memref<8192x1024xf32, #tpu.memory_space<hbm>>
    tpu.enqueue_indirect_dma source(%dma_start3A_6 : memref<8192x1024xf32, #tpu.memory_space<hbm>>) target(%arg6 : memref<8x1024xf32, #tpu.memory_space<vmem>>) offsets(%dma_start3A_3 : memref<8xi32, #tpu.memory_space<vmem>>) semaphore(%arg21 : memref<!tpu.dma_semaphore, #tpu.memory_space<semaphore_mem>>)
    %dma_start3A_7 = arith.constant 8 : i32
    %dma_start3A_8 = tpu.memref_slice %arg5[%dma_start3A_7] : memref<128xi32, #tpu.memory_space<vmem>> -> memref<8xi32, #tpu.memory_space<vmem>>
    %dma_start3A_9 = arith.constant 0 : i32
    %dma_start3A_10 = arith.constant 0 : i32
    %dma_start3A_11 = tpu.memref_slice %arg2[%dma_start3A_9, %dma_start3A_10] : memref<8192x1024xf32, #tpu.memory_space<hbm>> -> memref<8192x1024xf32, #tpu.memory_space<hbm>>
    tpu.enqueue_indirect_dma source(%dma_start3A_11 : memref<8192x1024xf32, #tpu.memory_space<hbm>>) target(%arg7 : memref<8x1024xf32, #tpu.memory_space<vmem>>) offsets(%dma_start3A_8 : memref<8xi32, #tpu.memory_space<vmem>>) semaphore(%arg22 : memref<!tpu.dma_semaphore, #tpu.memory_space<semaphore_mem>>)
    %dma_start3A_12 = arith.constant 16 : i32
    %dma_start3A_13 = tpu.memref_slice %arg5[%dma_start3A_12] : memref<128xi32, #tpu.memory_space<vmem>> -> memref<8xi32, #tpu.memory_space<vmem>>
    %dma_start3A_14 = arith.constant 0 : i32
    %dma_start3A_15 = arith.constant 0 : i32
    %dma_start3A_16 = tpu.memref_slice %arg2[%dma_start3A_14, %dma_start3A_15] : memref<8192x1024xf32, #tpu.memory_space<hbm>> -> memref<8192x1024xf32, #tpu.memory_space<hbm>>
    tpu.enqueue_indirect_dma source(%dma_start3A_16 : memref<8192x1024xf32, #tpu.memory_space<hbm>>) target(%arg8 : memref<8x1024xf32, #tpu.memory_space<vmem>>) offsets(%dma_start3A_13 : memref<8xi32, #tpu.memory_space<vmem>>) semaphore(%arg23 : memref<!tpu.dma_semaphore, #tpu.memory_space<semaphore_mem>>)
    %dma_start3A_17 = arith.constant 24 : i32
    %dma_start3A_18 = tpu.memref_slice %arg5[%dma_start3A_17] : memref<128xi32, #tpu.memory_space<vmem>> -> memref<8xi32, #tpu.memory_space<vmem>>
    %dma_start3A_19 = arith.constant 0 : i32
    %dma_start3A_20 = arith.constant 0 : i32
    %dma_start3A_21 = tpu.memref_slice %arg2[%dma_start3A_19, %dma_start3A_20] : memref<8192x1024xf32, #tpu.memory_space<hbm>> -> memref<8192x1024xf32, #tpu.memory_space<hbm>>
    tpu.enqueue_indirect_dma source(%dma_start3A_21 : memref<8192x1024xf32, #tpu.memory_space<hbm>>) target(%arg9 : memref<8x1024xf32, #tpu.memory_space<vmem>>) offsets(%dma_start3A_18 : memref<8xi32, #tpu.memory_space<vmem>>) semaphore(%arg24 : memref<!tpu.dma_semaphore, #tpu.memory_space<semaphore_mem>>)
    %dma_start3A_22 = arith.constant 32 : i32
    %dma_start3A_23 = tpu.memref_slice %arg5[%dma_start3A_22] : memref<128xi32, #tpu.memory_space<vmem>> -> memref<8xi32, #tpu.memory_space<vmem>>
    %dma_start3A_24 = arith.constant 0 : i32
    %dma_start3A_25 = arith.constant 0 : i32
    %dma_start3A_26 = tpu.memref_slice %arg2[%dma_start3A_24, %dma_start3A_25] : memref<8192x1024xf32, #tpu.memory_space<hbm>> -> memref<8192x1024xf32, #tpu.memory_space<hbm>>
    tpu.enqueue_indirect_dma source(%dma_start3A_26 : memref<8192x1024xf32, #tpu.memory_space<hbm>>) target(%arg10 : memref<8x1024xf32, #tpu.memory_space<vmem>>) offsets(%dma_start3A_23 : memref<8xi32, #tpu.memory_space<vmem>>) semaphore(%arg25 : memref<!tpu.dma_semaphore, #tpu.memory_space<semaphore_mem>>)
    %dma_start3A_27 = arith.constant 40 : i32
    %dma_start3A_28 = tpu.memref_slice %arg5[%dma_start3A_27] : memref<128xi32, #tpu.memory_space<vmem>> -> memref<8xi32, #tpu.memory_space<vmem>>
    %dma_start3A_29 = arith.constant 0 : i32
    %dma_start3A_30 = arith.constant 0 : i32
    %dma_start3A_31 = tpu.memref_slice %arg2[%dma_start3A_29, %dma_start3A_30] : memref<8192x1024xf32, #tpu.memory_space<hbm>> -> memref<8192x1024xf32, #tpu.memory_space<hbm>>
    tpu.enqueue_indirect_dma source(%dma_start3A_31 : memref<8192x1024xf32, #tpu.memory_space<hbm>>) target(%arg11 : memref<8x1024xf32, #tpu.memory_space<vmem>>) offsets(%dma_start3A_28 : memref<8xi32, #tpu.memory_space<vmem>>) semaphore(%arg26 : memref<!tpu.dma_semaphore, #tpu.memory_space<semaphore_mem>>)
    %dma_start3A_32 = arith.constant 48 : i32
    %dma_start3A_33 = tpu.memref_slice %arg5[%dma_start3A_32] : memref<128xi32, #tpu.memory_space<vmem>> -> memref<8xi32, #tpu.memory_space<vmem>>
    %dma_start3A_34 = arith.constant 0 : i32
    %dma_start3A_35 = arith.constant 0 : i32
    %dma_start3A_36 = tpu.memref_slice %arg2[%dma_start3A_34, %dma_start3A_35] : memref<8192x1024xf32, #tpu.memory_space<hbm>> -> memref<8192x1024xf32, #tpu.memory_space<hbm>>
    tpu.enqueue_indirect_dma source(%dma_start3A_36 : memref<8192x1024xf32, #tpu.memory_space<hbm>>) target(%arg12 : memref<8x1024xf32, #tpu.memory_space<vmem>>) offsets(%dma_start3A_33 : memref<8xi32, #tpu.memory_space<vmem>>) semaphore(%arg27 : memref<!tpu.dma_semaphore, #tpu.memory_space<semaphore_mem>>)
    %dma_start3A_37 = arith.constant 56 : i32
    %dma_start3A_38 = tpu.memref_slice %arg5[%dma_start3A_37] : memref<128xi32, #tpu.memory_space<vmem>> -> memref<8xi32, #tpu.memory_space<vmem>>
    %dma_start3A_39 = arith.constant 0 : i32
    %dma_start3A_40 = arith.constant 0 : i32
    %dma_start3A_41 = tpu.memref_slice %arg2[%dma_start3A_39, %dma_start3A_40] : memref<8192x1024xf32, #tpu.memory_space<hbm>> -> memref<8192x1024xf32, #tpu.memory_space<hbm>>
    tpu.enqueue_indirect_dma source(%dma_start3A_41 : memref<8192x1024xf32, #tpu.memory_space<hbm>>) target(%arg13 : memref<8x1024xf32, #tpu.memory_space<vmem>>) offsets(%dma_start3A_38 : memref<8xi32, #tpu.memory_space<vmem>>) semaphore(%arg28 : memref<!tpu.dma_semaphore, #tpu.memory_space<semaphore_mem>>)
    %dma_start3A_42 = arith.constant 64 : i32
    %dma_start3A_43 = tpu.memref_slice %arg5[%dma_start3A_42] : memref<128xi32, #tpu.memory_space<vmem>> -> memref<8xi32, #tpu.memory_space<vmem>>
    %dma_start3A_44 = arith.constant 0 : i32
    %dma_start3A_45 = arith.constant 0 : i32
    %dma_start3A_46 = tpu.memref_slice %arg2[%dma_start3A_44, %dma_start3A_45] : memref<8192x1024xf32, #tpu.memory_space<hbm>> -> memref<8192x1024xf32, #tpu.memory_space<hbm>>
    tpu.enqueue_indirect_dma source(%dma_start3A_46 : memref<8192x1024xf32, #tpu.memory_space<hbm>>) target(%arg14 : memref<8x1024xf32, #tpu.memory_space<vmem>>) offsets(%dma_start3A_43 : memref<8xi32, #tpu.memory_space<vmem>>) semaphore(%arg29 : memref<!tpu.dma_semaphore, #tpu.memory_space<semaphore_mem>>)
    %dma_start3A_47 = arith.constant 72 : i32
    %dma_start3A_48 = tpu.memref_slice %arg5[%dma_start3A_47] : memref<128xi32, #tpu.memory_space<vmem>> -> memref<8xi32, #tpu.memory_space<vmem>>
    %dma_start3A_49 = arith.constant 0 : i32
    %dma_start3A_50 = arith.constant 0 : i32
    %dma_start3A_51 = tpu.memref_slice %arg2[%dma_start3A_49, %dma_start3A_50] : memref<8192x1024xf32, #tpu.memory_space<hbm>> -> memref<8192x1024xf32, #tpu.memory_space<hbm>>
    tpu.enqueue_indirect_dma source(%dma_start3A_51 : memref<8192x1024xf32, #tpu.memory_space<hbm>>) target(%arg15 : memref<8x1024xf32, #tpu.memory_space<vmem>>) offsets(%dma_start3A_48 : memref<8xi32, #tpu.memory_space<vmem>>) semaphore(%arg30 : memref<!tpu.dma_semaphore, #tpu.memory_space<semaphore_mem>>)
    %dma_start3A_52 = arith.constant 80 : i32
    %dma_start3A_53 = tpu.memref_slice %arg5[%dma_start3A_52] : memref<128xi32, #tpu.memory_space<vmem>> -> memref<8xi32, #tpu.memory_space<vmem>>
    %dma_start3A_54 = arith.constant 0 : i32
    %dma_start3A_55 = arith.constant 0 : i32
    %dma_start3A_56 = tpu.memref_slice %arg2[%dma_start3A_54, %dma_start3A_55] : memref<8192x1024xf32, #tpu.memory_space<hbm>> -> memref<8192x1024xf32, #tpu.memory_space<hbm>>
    tpu.enqueue_indirect_dma source(%dma_start3A_56 : memref<8192x1024xf32, #tpu.memory_space<hbm>>) target(%arg16 : memref<8x1024xf32, #tpu.memory_space<vmem>>) offsets(%dma_start3A_53 : memref<8xi32, #tpu.memory_space<vmem>>) semaphore(%arg31 : memref<!tpu.dma_semaphore, #tpu.memory_space<semaphore_mem>>)
    %dma_start3A_57 = arith.constant 88 : i32
    %dma_start3A_58 = tpu.memref_slice %arg5[%dma_start3A_57] : memref<128xi32, #tpu.memory_space<vmem>> -> memref<8xi32, #tpu.memory_space<vmem>>
    %dma_start3A_59 = arith.constant 0 : i32
    %dma_start3A_60 = arith.constant 0 : i32
    %dma_start3A_61 = tpu.memref_slice %arg2[%dma_start3A_59, %dma_start3A_60] : memref<8192x1024xf32, #tpu.memory_space<hbm>> -> memref<8192x1024xf32, #tpu.memory_space<hbm>>
    tpu.enqueue_indirect_dma source(%dma_start3A_61 : memref<8192x1024xf32, #tpu.memory_space<hbm>>) target(%arg17 : memref<8x1024xf32, #tpu.memory_space<vmem>>) offsets(%dma_start3A_58 : memref<8xi32, #tpu.memory_space<vmem>>) semaphore(%arg32 : memref<!tpu.dma_semaphore, #tpu.memory_space<semaphore_mem>>)
    %dma_start3A_62 = arith.constant 96 : i32
    %dma_start3A_63 = tpu.memref_slice %arg5[%dma_start3A_62] : memref<128xi32, #tpu.memory_space<vmem>> -> memref<8xi32, #tpu.memory_space<vmem>>
    %dma_start3A_64 = arith.constant 0 : i32
    %dma_start3A_65 = arith.constant 0 : i32
    %dma_start3A_66 = tpu.memref_slice %arg2[%dma_start3A_64, %dma_start3A_65] : memref<8192x1024xf32, #tpu.memory_space<hbm>> -> memref<8192x1024xf32, #tpu.memory_space<hbm>>
    tpu.enqueue_indirect_dma source(%dma_start3A_66 : memref<8192x1024xf32, #tpu.memory_space<hbm>>) target(%arg18 : memref<8x1024xf32, #tpu.memory_space<vmem>>) offsets(%dma_start3A_63 : memref<8xi32, #tpu.memory_space<vmem>>) semaphore(%arg33 : memref<!tpu.dma_semaphore, #tpu.memory_space<semaphore_mem>>)
    %dma_start3A_67 = arith.constant 104 : i32
    %dma_start3A_68 = tpu.memref_slice %arg5[%dma_start3A_67] : memref<128xi32, #tpu.memory_space<vmem>> -> memref<8xi32, #tpu.memory_space<vmem>>
    %dma_start3A_69 = arith.constant 0 : i32
    %dma_start3A_70 = arith.constant 0 : i32
    %dma_start3A_71 = tpu.memref_slice %arg2[%dma_start3A_69, %dma_start3A_70] : memref<8192x1024xf32, #tpu.memory_space<hbm>> -> memref<8192x1024xf32, #tpu.memory_space<hbm>>
    tpu.enqueue_indirect_dma source(%dma_start3A_71 : memref<8192x1024xf32, #tpu.memory_space<hbm>>) target(%arg19 : memref<8x1024xf32, #tpu.memory_space<vmem>>) offsets(%dma_start3A_68 : memref<8xi32, #tpu.memory_space<vmem>>) semaphore(%arg34 : memref<!tpu.dma_semaphore, #tpu.memory_space<semaphore_mem>>)
    %dma_start3A_72 = arith.constant 112 : i32
    %dma_start3A_73 = tpu.memref_slice %arg5[%dma_start3A_72] : memref<128xi32, #tpu.memory_space<vmem>> -> memref<8xi32, #tpu.memory_space<vmem>>
    %dma_start3A_74 = arith.constant 0 : i32
    %dma_start3A_75 = arith.constant 0 : i32
    %dma_start3A_76 = tpu.memref_slice %arg2[%dma_start3A_74, %dma_start3A_75] : memref<8192x1024xf32, #tpu.memory_space<hbm>> -> memref<8192x1024xf32, #tpu.memory_space<hbm>>
    tpu.enqueue_indirect_dma source(%dma_start3A_76 : memref<8192x1024xf32, #tpu.memory_space<hbm>>) target(%arg20 : memref<8x1024xf32, #tpu.memory_space<vmem>>) offsets(%dma_start3A_73 : memref<8xi32, #tpu.memory_space<vmem>>) semaphore(%arg35 : memref<!tpu.dma_semaphore, #tpu.memory_space<semaphore_mem>>)
    %dma_wait3A = arith.constant 0 : i32
    %dma_wait3A_77 = tpu.memref_slice %arg5[%dma_wait3A] : memref<128xi32, #tpu.memory_space<vmem>> -> memref<8xi32, #tpu.memory_space<vmem>>
    %dma_wait3A_78 = arith.constant 0 : i32
    %dma_wait3A_79 = arith.constant 0 : i32
    %dma_wait3A_80 = tpu.memref_slice %arg2[%dma_wait3A_78, %dma_wait3A_79] : memref<8192x1024xf32, #tpu.memory_space<hbm>> -> memref<8192x1024xf32, #tpu.memory_space<hbm>>
    tpu.wait_indirect_dma semaphore(%arg21 : memref<!tpu.dma_semaphore, #tpu.memory_space<semaphore_mem>>) src(%dma_wait3A_80 : memref<8192x1024xf32, #tpu.memory_space<hbm>>) dst(%arg6 : memref<8x1024xf32, #tpu.memory_space<vmem>>)
    %add3A_81 = arith.constant 0 : i32
    %add3A_82 = arith.addi %mul3A_2, %add3A_81 : i32
    %dma_start3A_83 = arith.constant 0 : i32
    %dma_start3A_84 = tpu.memref_slice %arg4[%add3A_82, %dma_start3A_83] : memref<4096x1024xf32, #tpu.memory_space<hbm>> -> memref<8x1024xf32, #tpu.memory_space<hbm>>
    %dma_start3A_85 = arith.constant 0 : i32
    %dma_start3A_86 = tpu.memref_slice %arg4[%add3A_82, %dma_start3A_85] : memref<4096x1024xf32, #tpu.memory_space<hbm>> -> memref<8x1024xf32, #tpu.memory_space<hbm>>
    tpu.enqueue_dma source(%arg6 : memref<8x1024xf32, #tpu.memory_space<vmem>>) target(%dma_start3A_86 : memref<8x1024xf32, #tpu.memory_space<hbm>>) target_semaphore(%arg36 : memref<!tpu.dma_semaphore, #tpu.memory_space<semaphore_mem>>)
    %dma_wait3A_87 = arith.constant 8 : i32
    %dma_wait3A_88 = tpu.memref_slice %arg5[%dma_wait3A_87] : memref<128xi32, #tpu.memory_space<vmem>> -> memref<8xi32, #tpu.memory_space<vmem>>
    %dma_wait3A_89 = arith.constant 0 : i32
    %dma_wait3A_90 = arith.constant 0 : i32
    %dma_wait3A_91 = tpu.memref_slice %arg2[%dma_wait3A_89, %dma_wait3A_90] : memref<8192x1024xf32, #tpu.memory_space<hbm>> -> memref<8192x1024xf32, #tpu.memory_space<hbm>>
    tpu.wait_indirect_dma semaphore(%arg22 : memref<!tpu.dma_semaphore, #tpu.memory_space<semaphore_mem>>) src(%dma_wait3A_91 : memref<8192x1024xf32, #tpu.memory_space<hbm>>) dst(%arg7 : memref<8x1024xf32, #tpu.memory_space<vmem>>)
    %add3A_92 = arith.constant 8 : i32
    %add3A_93 = arith.addi %mul3A_2, %add3A_92 : i32
    %dma_start3A_94 = arith.constant 0 : i32
    %dma_start3A_95 = tpu.memref_slice %arg4[%add3A_93, %dma_start3A_94] : memref<4096x1024xf32, #tpu.memory_space<hbm>> -> memref<8x1024xf32, #tpu.memory_space<hbm>>
    %dma_start3A_96 = arith.constant 0 : i32
    %dma_start3A_97 = tpu.memref_slice %arg4[%add3A_93, %dma_start3A_96] : memref<4096x1024xf32, #tpu.memory_space<hbm>> -> memref<8x1024xf32, #tpu.memory_space<hbm>>
    tpu.enqueue_dma source(%arg7 : memref<8x1024xf32, #tpu.memory_space<vmem>>) target(%dma_start3A_97 : memref<8x1024xf32, #tpu.memory_space<hbm>>) target_semaphore(%arg37 : memref<!tpu.dma_semaphore, #tpu.memory_space<semaphore_mem>>)
    %dma_wait3A_98 = arith.constant 16 : i32
    %dma_wait3A_99 = tpu.memref_slice %arg5[%dma_wait3A_98] : memref<128xi32, #tpu.memory_space<vmem>> -> memref<8xi32, #tpu.memory_space<vmem>>
    %dma_wait3A_100 = arith.constant 0 : i32
    %dma_wait3A_101 = arith.constant 0 : i32
    %dma_wait3A_102 = tpu.memref_slice %arg2[%dma_wait3A_100, %dma_wait3A_101] : memref<8192x1024xf32, #tpu.memory_space<hbm>> -> memref<8192x1024xf32, #tpu.memory_space<hbm>>
    tpu.wait_indirect_dma semaphore(%arg23 : memref<!tpu.dma_semaphore, #tpu.memory_space<semaphore_mem>>) src(%dma_wait3A_102 : memref<8192x1024xf32, #tpu.memory_space<hbm>>) dst(%arg8 : memref<8x1024xf32, #tpu.memory_space<vmem>>)
    %add3A_103 = arith.constant 16 : i32
    %add3A_104 = arith.addi %mul3A_2, %add3A_103 : i32
    %dma_start3A_105 = arith.constant 0 : i32
    %dma_start3A_106 = tpu.memref_slice %arg4[%add3A_104, %dma_start3A_105] : memref<4096x1024xf32, #tpu.memory_space<hbm>> -> memref<8x1024xf32, #tpu.memory_space<hbm>>
    %dma_start3A_107 = arith.constant 0 : i32
    %dma_start3A_108 = tpu.memref_slice %arg4[%add3A_104, %dma_start3A_107] : memref<4096x1024xf32, #tpu.memory_space<hbm>> -> memref<8x1024xf32, #tpu.memory_space<hbm>>
    tpu.enqueue_dma source(%arg8 : memref<8x1024xf32, #tpu.memory_space<vmem>>) target(%dma_start3A_108 : memref<8x1024xf32, #tpu.memory_space<hbm>>) target_semaphore(%arg38 : memref<!tpu.dma_semaphore, #tpu.memory_space<semaphore_mem>>)
    %dma_wait3A_109 = arith.constant 0 : i32
    %dma_wait3A_110 = tpu.memref_slice %arg4[%add3A_82, %dma_wait3A_109] : memref<4096x1024xf32, #tpu.memory_space<hbm>> -> memref<8x1024xf32, #tpu.memory_space<hbm>>
    %dma_wait3A_111 = arith.constant 0 : i32
    %dma_wait3A_112 = tpu.memref_slice %arg4[%add3A_82, %dma_wait3A_111] : memref<4096x1024xf32, #tpu.memory_space<hbm>> -> memref<8x1024xf32, #tpu.memory_space<hbm>>
    tpu.wait_dma2 semaphore(%arg36 : memref<!tpu.dma_semaphore, #tpu.memory_space<semaphore_mem>>) src(%arg6 : memref<8x1024xf32, #tpu.memory_space<vmem>>) dst(%dma_wait3A_112 : memref<8x1024xf32, #tpu.memory_space<hbm>>)
    %dma_start3A_113 = arith.constant 120 : i32
    %dma_start3A_114 = tpu.memref_slice %arg5[%dma_start3A_113] : memref<128xi32, #tpu.memory_space<vmem>> -> memref<8xi32, #tpu.memory_space<vmem>>
    %dma_start3A_115 = arith.constant 0 : i32
    %dma_start3A_116 = arith.constant 0 : i32
    %dma_start3A_117 = tpu.memref_slice %arg2[%dma_start3A_115, %dma_start3A_116] : memref<8192x1024xf32, #tpu.memory_space<hbm>> -> memref<8192x1024xf32, #tpu.memory_space<hbm>>
    tpu.enqueue_indirect_dma source(%dma_start3A_117 : memref<8192x1024xf32, #tpu.memory_space<hbm>>) target(%arg6 : memref<8x1024xf32, #tpu.memory_space<vmem>>) offsets(%dma_start3A_114 : memref<8xi32, #tpu.memory_space<vmem>>) semaphore(%arg21 : memref<!tpu.dma_semaphore, #tpu.memory_space<semaphore_mem>>)
    %dma_wait3A_118 = arith.constant 24 : i32
    %dma_wait3A_119 = tpu.memref_slice %arg5[%dma_wait3A_118] : memref<128xi32, #tpu.memory_space<vmem>> -> memref<8xi32, #tpu.memory_space<vmem>>
    %dma_wait3A_120 = arith.constant 0 : i32
    %dma_wait3A_121 = arith.constant 0 : i32
    %dma_wait3A_122 = tpu.memref_slice %arg2[%dma_wait3A_120, %dma_wait3A_121] : memref<8192x1024xf32, #tpu.memory_space<hbm>> -> memref<8192x1024xf32, #tpu.memory_space<hbm>>
    tpu.wait_indirect_dma semaphore(%arg24 : memref<!tpu.dma_semaphore, #tpu.memory_space<semaphore_mem>>) src(%dma_wait3A_122 : memref<8192x1024xf32, #tpu.memory_space<hbm>>) dst(%arg9 : memref<8x1024xf32, #tpu.memory_space<vmem>>)
    %add3A_123 = arith.constant 24 : i32
    %add3A_124 = arith.addi %mul3A_2, %add3A_123 : i32
    %dma_start3A_125 = arith.constant 0 : i32
    %dma_start3A_126 = tpu.memref_slice %arg4[%add3A_124, %dma_start3A_125] : memref<4096x1024xf32, #tpu.memory_space<hbm>> -> memref<8x1024xf32, #tpu.memory_space<hbm>>
    %dma_start3A_127 = arith.constant 0 : i32
    %dma_start3A_128 = tpu.memref_slice %arg4[%add3A_124, %dma_start3A_127] : memref<4096x1024xf32, #tpu.memory_space<hbm>> -> memref<8x1024xf32, #tpu.memory_space<hbm>>
    tpu.enqueue_dma source(%arg9 : memref<8x1024xf32, #tpu.memory_space<vmem>>) target(%dma_start3A_128 : memref<8x1024xf32, #tpu.memory_space<hbm>>) target_semaphore(%arg39 : memref<!tpu.dma_semaphore, #tpu.memory_space<semaphore_mem>>)
    %dma_wait3A_129 = arith.constant 32 : i32
    %dma_wait3A_130 = tpu.memref_slice %arg5[%dma_wait3A_129] : memref<128xi32, #tpu.memory_space<vmem>> -> memref<8xi32, #tpu.memory_space<vmem>>
    %dma_wait3A_131 = arith.constant 0 : i32
    %dma_wait3A_132 = arith.constant 0 : i32
    %dma_wait3A_133 = tpu.memref_slice %arg2[%dma_wait3A_131, %dma_wait3A_132] : memref<8192x1024xf32, #tpu.memory_space<hbm>> -> memref<8192x1024xf32, #tpu.memory_space<hbm>>
    tpu.wait_indirect_dma semaphore(%arg25 : memref<!tpu.dma_semaphore, #tpu.memory_space<semaphore_mem>>) src(%dma_wait3A_133 : memref<8192x1024xf32, #tpu.memory_space<hbm>>) dst(%arg10 : memref<8x1024xf32, #tpu.memory_space<vmem>>)
    %add3A_134 = arith.constant 32 : i32
    %add3A_135 = arith.addi %mul3A_2, %add3A_134 : i32
    %dma_start3A_136 = arith.constant 0 : i32
    %dma_start3A_137 = tpu.memref_slice %arg4[%add3A_135, %dma_start3A_136] : memref<4096x1024xf32, #tpu.memory_space<hbm>> -> memref<8x1024xf32, #tpu.memory_space<hbm>>
    %dma_start3A_138 = arith.constant 0 : i32
    %dma_start3A_139 = tpu.memref_slice %arg4[%add3A_135, %dma_start3A_138] : memref<4096x1024xf32, #tpu.memory_space<hbm>> -> memref<8x1024xf32, #tpu.memory_space<hbm>>
    tpu.enqueue_dma source(%arg10 : memref<8x1024xf32, #tpu.memory_space<vmem>>) target(%dma_start3A_139 : memref<8x1024xf32, #tpu.memory_space<hbm>>) target_semaphore(%arg40 : memref<!tpu.dma_semaphore, #tpu.memory_space<semaphore_mem>>)
    %dma_wait3A_140 = arith.constant 40 : i32
    %dma_wait3A_141 = tpu.memref_slice %arg5[%dma_wait3A_140] : memref<128xi32, #tpu.memory_space<vmem>> -> memref<8xi32, #tpu.memory_space<vmem>>
    %dma_wait3A_142 = arith.constant 0 : i32
    %dma_wait3A_143 = arith.constant 0 : i32
    %dma_wait3A_144 = tpu.memref_slice %arg2[%dma_wait3A_142, %dma_wait3A_143] : memref<8192x1024xf32, #tpu.memory_space<hbm>> -> memref<8192x1024xf32, #tpu.memory_space<hbm>>
    tpu.wait_indirect_dma semaphore(%arg26 : memref<!tpu.dma_semaphore, #tpu.memory_space<semaphore_mem>>) src(%dma_wait3A_144 : memref<8192x1024xf32, #tpu.memory_space<hbm>>) dst(%arg11 : memref<8x1024xf32, #tpu.memory_space<vmem>>)
    %add3A_145 = arith.constant 40 : i32
    %add3A_146 = arith.addi %mul3A_2, %add3A_145 : i32
    %dma_start3A_147 = arith.constant 0 : i32
    %dma_start3A_148 = tpu.memref_slice %arg4[%add3A_146, %dma_start3A_147] : memref<4096x1024xf32, #tpu.memory_space<hbm>> -> memref<8x1024xf32, #tpu.memory_space<hbm>>
    %dma_start3A_149 = arith.constant 0 : i32
    %dma_start3A_150 = tpu.memref_slice %arg4[%add3A_146, %dma_start3A_149] : memref<4096x1024xf32, #tpu.memory_space<hbm>> -> memref<8x1024xf32, #tpu.memory_space<hbm>>
    tpu.enqueue_dma source(%arg11 : memref<8x1024xf32, #tpu.memory_space<vmem>>) target(%dma_start3A_150 : memref<8x1024xf32, #tpu.memory_space<hbm>>) target_semaphore(%arg41 : memref<!tpu.dma_semaphore, #tpu.memory_space<semaphore_mem>>)
    %dma_wait3A_151 = arith.constant 48 : i32
    %dma_wait3A_152 = tpu.memref_slice %arg5[%dma_wait3A_151] : memref<128xi32, #tpu.memory_space<vmem>> -> memref<8xi32, #tpu.memory_space<vmem>>
    %dma_wait3A_153 = arith.constant 0 : i32
    %dma_wait3A_154 = arith.constant 0 : i32
    %dma_wait3A_155 = tpu.memref_slice %arg2[%dma_wait3A_153, %dma_wait3A_154] : memref<8192x1024xf32, #tpu.memory_space<hbm>> -> memref<8192x1024xf32, #tpu.memory_space<hbm>>
    tpu.wait_indirect_dma semaphore(%arg27 : memref<!tpu.dma_semaphore, #tpu.memory_space<semaphore_mem>>) src(%dma_wait3A_155 : memref<8192x1024xf32, #tpu.memory_space<hbm>>) dst(%arg12 : memref<8x1024xf32, #tpu.memory_space<vmem>>)
    %add3A_156 = arith.constant 48 : i32
    %add3A_157 = arith.addi %mul3A_2, %add3A_156 : i32
    %dma_start3A_158 = arith.constant 0 : i32
    %dma_start3A_159 = tpu.memref_slice %arg4[%add3A_157, %dma_start3A_158] : memref<4096x1024xf32, #tpu.memory_space<hbm>> -> memref<8x1024xf32, #tpu.memory_space<hbm>>
    %dma_start3A_160 = arith.constant 0 : i32
    %dma_start3A_161 = tpu.memref_slice %arg4[%add3A_157, %dma_start3A_160] : memref<4096x1024xf32, #tpu.memory_space<hbm>> -> memref<8x1024xf32, #tpu.memory_space<hbm>>
    tpu.enqueue_dma source(%arg12 : memref<8x1024xf32, #tpu.memory_space<vmem>>) target(%dma_start3A_161 : memref<8x1024xf32, #tpu.memory_space<hbm>>) target_semaphore(%arg42 : memref<!tpu.dma_semaphore, #tpu.memory_space<semaphore_mem>>)
    %dma_wait3A_162 = arith.constant 56 : i32
    %dma_wait3A_163 = tpu.memref_slice %arg5[%dma_wait3A_162] : memref<128xi32, #tpu.memory_space<vmem>> -> memref<8xi32, #tpu.memory_space<vmem>>
    %dma_wait3A_164 = arith.constant 0 : i32
    %dma_wait3A_165 = arith.constant 0 : i32
    %dma_wait3A_166 = tpu.memref_slice %arg2[%dma_wait3A_164, %dma_wait3A_165] : memref<8192x1024xf32, #tpu.memory_space<hbm>> -> memref<8192x1024xf32, #tpu.memory_space<hbm>>
    tpu.wait_indirect_dma semaphore(%arg28 : memref<!tpu.dma_semaphore, #tpu.memory_space<semaphore_mem>>) src(%dma_wait3A_166 : memref<8192x1024xf32, #tpu.memory_space<hbm>>) dst(%arg13 : memref<8x1024xf32, #tpu.memory_space<vmem>>)
    %add3A_167 = arith.constant 56 : i32
    %add3A_168 = arith.addi %mul3A_2, %add3A_167 : i32
    %dma_start3A_169 = arith.constant 0 : i32
    %dma_start3A_170 = tpu.memref_slice %arg4[%add3A_168, %dma_start3A_169] : memref<4096x1024xf32, #tpu.memory_space<hbm>> -> memref<8x1024xf32, #tpu.memory_space<hbm>>
    %dma_start3A_171 = arith.constant 0 : i32
    %dma_start3A_172 = tpu.memref_slice %arg4[%add3A_168, %dma_start3A_171] : memref<4096x1024xf32, #tpu.memory_space<hbm>> -> memref<8x1024xf32, #tpu.memory_space<hbm>>
    tpu.enqueue_dma source(%arg13 : memref<8x1024xf32, #tpu.memory_space<vmem>>) target(%dma_start3A_172 : memref<8x1024xf32, #tpu.memory_space<hbm>>) target_semaphore(%arg43 : memref<!tpu.dma_semaphore, #tpu.memory_space<semaphore_mem>>)
    %dma_wait3A_173 = arith.constant 64 : i32
    %dma_wait3A_174 = tpu.memref_slice %arg5[%dma_wait3A_173] : memref<128xi32, #tpu.memory_space<vmem>> -> memref<8xi32, #tpu.memory_space<vmem>>
    %dma_wait3A_175 = arith.constant 0 : i32
    %dma_wait3A_176 = arith.constant 0 : i32
    %dma_wait3A_177 = tpu.memref_slice %arg2[%dma_wait3A_175, %dma_wait3A_176] : memref<8192x1024xf32, #tpu.memory_space<hbm>> -> memref<8192x1024xf32, #tpu.memory_space<hbm>>
    tpu.wait_indirect_dma semaphore(%arg29 : memref<!tpu.dma_semaphore, #tpu.memory_space<semaphore_mem>>) src(%dma_wait3A_177 : memref<8192x1024xf32, #tpu.memory_space<hbm>>) dst(%arg14 : memref<8x1024xf32, #tpu.memory_space<vmem>>)
    %add3A_178 = arith.constant 64 : i32
    %add3A_179 = arith.addi %mul3A_2, %add3A_178 : i32
    %dma_start3A_180 = arith.constant 0 : i32
    %dma_start3A_181 = tpu.memref_slice %arg4[%add3A_179, %dma_start3A_180] : memref<4096x1024xf32, #tpu.memory_space<hbm>> -> memref<8x1024xf32, #tpu.memory_space<hbm>>
    %dma_start3A_182 = arith.constant 0 : i32
    %dma_start3A_183 = tpu.memref_slice %arg4[%add3A_179, %dma_start3A_182] : memref<4096x1024xf32, #tpu.memory_space<hbm>> -> memref<8x1024xf32, #tpu.memory_space<hbm>>
    tpu.enqueue_dma source(%arg14 : memref<8x1024xf32, #tpu.memory_space<vmem>>) target(%dma_start3A_183 : memref<8x1024xf32, #tpu.memory_space<hbm>>) target_semaphore(%arg44 : memref<!tpu.dma_semaphore, #tpu.memory_space<semaphore_mem>>)
    %dma_wait3A_184 = arith.constant 72 : i32
    %dma_wait3A_185 = tpu.memref_slice %arg5[%dma_wait3A_184] : memref<128xi32, #tpu.memory_space<vmem>> -> memref<8xi32, #tpu.memory_space<vmem>>
    %dma_wait3A_186 = arith.constant 0 : i32
    %dma_wait3A_187 = arith.constant 0 : i32
    %dma_wait3A_188 = tpu.memref_slice %arg2[%dma_wait3A_186, %dma_wait3A_187] : memref<8192x1024xf32, #tpu.memory_space<hbm>> -> memref<8192x1024xf32, #tpu.memory_space<hbm>>
    tpu.wait_indirect_dma semaphore(%arg30 : memref<!tpu.dma_semaphore, #tpu.memory_space<semaphore_mem>>) src(%dma_wait3A_188 : memref<8192x1024xf32, #tpu.memory_space<hbm>>) dst(%arg15 : memref<8x1024xf32, #tpu.memory_space<vmem>>)
    %add3A_189 = arith.constant 72 : i32
    %add3A_190 = arith.addi %mul3A_2, %add3A_189 : i32
    %dma_start3A_191 = arith.constant 0 : i32
    %dma_start3A_192 = tpu.memref_slice %arg4[%add3A_190, %dma_start3A_191] : memref<4096x1024xf32, #tpu.memory_space<hbm>> -> memref<8x1024xf32, #tpu.memory_space<hbm>>
    %dma_start3A_193 = arith.constant 0 : i32
    %dma_start3A_194 = tpu.memref_slice %arg4[%add3A_190, %dma_start3A_193] : memref<4096x1024xf32, #tpu.memory_space<hbm>> -> memref<8x1024xf32, #tpu.memory_space<hbm>>
    tpu.enqueue_dma source(%arg15 : memref<8x1024xf32, #tpu.memory_space<vmem>>) target(%dma_start3A_194 : memref<8x1024xf32, #tpu.memory_space<hbm>>) target_semaphore(%arg45 : memref<!tpu.dma_semaphore, #tpu.memory_space<semaphore_mem>>)
    %dma_wait3A_195 = arith.constant 80 : i32
    %dma_wait3A_196 = tpu.memref_slice %arg5[%dma_wait3A_195] : memref<128xi32, #tpu.memory_space<vmem>> -> memref<8xi32, #tpu.memory_space<vmem>>
    %dma_wait3A_197 = arith.constant 0 : i32
    %dma_wait3A_198 = arith.constant 0 : i32
    %dma_wait3A_199 = tpu.memref_slice %arg2[%dma_wait3A_197, %dma_wait3A_198] : memref<8192x1024xf32, #tpu.memory_space<hbm>> -> memref<8192x1024xf32, #tpu.memory_space<hbm>>
    tpu.wait_indirect_dma semaphore(%arg31 : memref<!tpu.dma_semaphore, #tpu.memory_space<semaphore_mem>>) src(%dma_wait3A_199 : memref<8192x1024xf32, #tpu.memory_space<hbm>>) dst(%arg16 : memref<8x1024xf32, #tpu.memory_space<vmem>>)
    %add3A_200 = arith.constant 80 : i32
    %add3A_201 = arith.addi %mul3A_2, %add3A_200 : i32
    %dma_start3A_202 = arith.constant 0 : i32
    %dma_start3A_203 = tpu.memref_slice %arg4[%add3A_201, %dma_start3A_202] : memref<4096x1024xf32, #tpu.memory_space<hbm>> -> memref<8x1024xf32, #tpu.memory_space<hbm>>
    %dma_start3A_204 = arith.constant 0 : i32
    %dma_start3A_205 = tpu.memref_slice %arg4[%add3A_201, %dma_start3A_204] : memref<4096x1024xf32, #tpu.memory_space<hbm>> -> memref<8x1024xf32, #tpu.memory_space<hbm>>
    tpu.enqueue_dma source(%arg16 : memref<8x1024xf32, #tpu.memory_space<vmem>>) target(%dma_start3A_205 : memref<8x1024xf32, #tpu.memory_space<hbm>>) target_semaphore(%arg46 : memref<!tpu.dma_semaphore, #tpu.memory_space<semaphore_mem>>)
    %dma_wait3A_206 = arith.constant 88 : i32
    %dma_wait3A_207 = tpu.memref_slice %arg5[%dma_wait3A_206] : memref<128xi32, #tpu.memory_space<vmem>> -> memref<8xi32, #tpu.memory_space<vmem>>
    %dma_wait3A_208 = arith.constant 0 : i32
    %dma_wait3A_209 = arith.constant 0 : i32
    %dma_wait3A_210 = tpu.memref_slice %arg2[%dma_wait3A_208, %dma_wait3A_209] : memref<8192x1024xf32, #tpu.memory_space<hbm>> -> memref<8192x1024xf32, #tpu.memory_space<hbm>>
    tpu.wait_indirect_dma semaphore(%arg32 : memref<!tpu.dma_semaphore, #tpu.memory_space<semaphore_mem>>) src(%dma_wait3A_210 : memref<8192x1024xf32, #tpu.memory_space<hbm>>) dst(%arg17 : memref<8x1024xf32, #tpu.memory_space<vmem>>)
    %add3A_211 = arith.constant 88 : i32
    %add3A_212 = arith.addi %mul3A_2, %add3A_211 : i32
    %dma_start3A_213 = arith.constant 0 : i32
    %dma_start3A_214 = tpu.memref_slice %arg4[%add3A_212, %dma_start3A_213] : memref<4096x1024xf32, #tpu.memory_space<hbm>> -> memref<8x1024xf32, #tpu.memory_space<hbm>>
    %dma_start3A_215 = arith.constant 0 : i32
    %dma_start3A_216 = tpu.memref_slice %arg4[%add3A_212, %dma_start3A_215] : memref<4096x1024xf32, #tpu.memory_space<hbm>> -> memref<8x1024xf32, #tpu.memory_space<hbm>>
    tpu.enqueue_dma source(%arg17 : memref<8x1024xf32, #tpu.memory_space<vmem>>) target(%dma_start3A_216 : memref<8x1024xf32, #tpu.memory_space<hbm>>) target_semaphore(%arg47 : memref<!tpu.dma_semaphore, #tpu.memory_space<semaphore_mem>>)
    %dma_wait3A_217 = arith.constant 96 : i32
    %dma_wait3A_218 = tpu.memref_slice %arg5[%dma_wait3A_217] : memref<128xi32, #tpu.memory_space<vmem>> -> memref<8xi32, #tpu.memory_space<vmem>>
    %dma_wait3A_219 = arith.constant 0 : i32
    %dma_wait3A_220 = arith.constant 0 : i32
    %dma_wait3A_221 = tpu.memref_slice %arg2[%dma_wait3A_219, %dma_wait3A_220] : memref<8192x1024xf32, #tpu.memory_space<hbm>> -> memref<8192x1024xf32, #tpu.memory_space<hbm>>
    tpu.wait_indirect_dma semaphore(%arg33 : memref<!tpu.dma_semaphore, #tpu.memory_space<semaphore_mem>>) src(%dma_wait3A_221 : memref<8192x1024xf32, #tpu.memory_space<hbm>>) dst(%arg18 : memref<8x1024xf32, #tpu.memory_space<vmem>>)
    %add3A_222 = arith.constant 96 : i32
    %add3A_223 = arith.addi %mul3A_2, %add3A_222 : i32
    %dma_start3A_224 = arith.constant 0 : i32
    %dma_start3A_225 = tpu.memref_slice %arg4[%add3A_223, %dma_start3A_224] : memref<4096x1024xf32, #tpu.memory_space<hbm>> -> memref<8x1024xf32, #tpu.memory_space<hbm>>
    %dma_start3A_226 = arith.constant 0 : i32
    %dma_start3A_227 = tpu.memref_slice %arg4[%add3A_223, %dma_start3A_226] : memref<4096x1024xf32, #tpu.memory_space<hbm>> -> memref<8x1024xf32, #tpu.memory_space<hbm>>
    tpu.enqueue_dma source(%arg18 : memref<8x1024xf32, #tpu.memory_space<vmem>>) target(%dma_start3A_227 : memref<8x1024xf32, #tpu.memory_space<hbm>>) target_semaphore(%arg48 : memref<!tpu.dma_semaphore, #tpu.memory_space<semaphore_mem>>)
    %dma_wait3A_228 = arith.constant 104 : i32
    %dma_wait3A_229 = tpu.memref_slice %arg5[%dma_wait3A_228] : memref<128xi32, #tpu.memory_space<vmem>> -> memref<8xi32, #tpu.memory_space<vmem>>
    %dma_wait3A_230 = arith.constant 0 : i32
    %dma_wait3A_231 = arith.constant 0 : i32
    %dma_wait3A_232 = tpu.memref_slice %arg2[%dma_wait3A_230, %dma_wait3A_231] : memref<8192x1024xf32, #tpu.memory_space<hbm>> -> memref<8192x1024xf32, #tpu.memory_space<hbm>>
    tpu.wait_indirect_dma semaphore(%arg34 : memref<!tpu.dma_semaphore, #tpu.memory_space<semaphore_mem>>) src(%dma_wait3A_232 : memref<8192x1024xf32, #tpu.memory_space<hbm>>) dst(%arg19 : memref<8x1024xf32, #tpu.memory_space<vmem>>)
    %add3A_233 = arith.constant 104 : i32
    %add3A_234 = arith.addi %mul3A_2, %add3A_233 : i32
    %dma_start3A_235 = arith.constant 0 : i32
    %dma_start3A_236 = tpu.memref_slice %arg4[%add3A_234, %dma_start3A_235] : memref<4096x1024xf32, #tpu.memory_space<hbm>> -> memref<8x1024xf32, #tpu.memory_space<hbm>>
    %dma_start3A_237 = arith.constant 0 : i32
    %dma_start3A_238 = tpu.memref_slice %arg4[%add3A_234, %dma_start3A_237] : memref<4096x1024xf32, #tpu.memory_space<hbm>> -> memref<8x1024xf32, #tpu.memory_space<hbm>>
    tpu.enqueue_dma source(%arg19 : memref<8x1024xf32, #tpu.memory_space<vmem>>) target(%dma_start3A_238 : memref<8x1024xf32, #tpu.memory_space<hbm>>) target_semaphore(%arg49 : memref<!tpu.dma_semaphore, #tpu.memory_space<semaphore_mem>>)
    %dma_wait3A_239 = arith.constant 112 : i32
    %dma_wait3A_240 = tpu.memref_slice %arg5[%dma_wait3A_239] : memref<128xi32, #tpu.memory_space<vmem>> -> memref<8xi32, #tpu.memory_space<vmem>>
    %dma_wait3A_241 = arith.constant 0 : i32
    %dma_wait3A_242 = arith.constant 0 : i32
    %dma_wait3A_243 = tpu.memref_slice %arg2[%dma_wait3A_241, %dma_wait3A_242] : memref<8192x1024xf32, #tpu.memory_space<hbm>> -> memref<8192x1024xf32, #tpu.memory_space<hbm>>
    tpu.wait_indirect_dma semaphore(%arg35 : memref<!tpu.dma_semaphore, #tpu.memory_space<semaphore_mem>>) src(%dma_wait3A_243 : memref<8192x1024xf32, #tpu.memory_space<hbm>>) dst(%arg20 : memref<8x1024xf32, #tpu.memory_space<vmem>>)
    %add3A_244 = arith.constant 112 : i32
    %add3A_245 = arith.addi %mul3A_2, %add3A_244 : i32
    %dma_start3A_246 = arith.constant 0 : i32
    %dma_start3A_247 = tpu.memref_slice %arg4[%add3A_245, %dma_start3A_246] : memref<4096x1024xf32, #tpu.memory_space<hbm>> -> memref<8x1024xf32, #tpu.memory_space<hbm>>
    %dma_start3A_248 = arith.constant 0 : i32
    %dma_start3A_249 = tpu.memref_slice %arg4[%add3A_245, %dma_start3A_248] : memref<4096x1024xf32, #tpu.memory_space<hbm>> -> memref<8x1024xf32, #tpu.memory_space<hbm>>
    tpu.enqueue_dma source(%arg20 : memref<8x1024xf32, #tpu.memory_space<vmem>>) target(%dma_start3A_249 : memref<8x1024xf32, #tpu.memory_space<hbm>>) target_semaphore(%arg50 : memref<!tpu.dma_semaphore, #tpu.memory_space<semaphore_mem>>)
    %dma_wait3A_250 = arith.constant 120 : i32
    %dma_wait3A_251 = tpu.memref_slice %arg5[%dma_wait3A_250] : memref<128xi32, #tpu.memory_space<vmem>> -> memref<8xi32, #tpu.memory_space<vmem>>
    %dma_wait3A_252 = arith.constant 0 : i32
    %dma_wait3A_253 = arith.constant 0 : i32
    %dma_wait3A_254 = tpu.memref_slice %arg2[%dma_wait3A_252, %dma_wait3A_253] : memref<8192x1024xf32, #tpu.memory_space<hbm>> -> memref<8192x1024xf32, #tpu.memory_space<hbm>>
    tpu.wait_indirect_dma semaphore(%arg21 : memref<!tpu.dma_semaphore, #tpu.memory_space<semaphore_mem>>) src(%dma_wait3A_254 : memref<8192x1024xf32, #tpu.memory_space<hbm>>) dst(%arg6 : memref<8x1024xf32, #tpu.memory_space<vmem>>)
    %add3A_255 = arith.constant 120 : i32
    %add3A_256 = arith.addi %mul3A_2, %add3A_255 : i32
    %dma_start3A_257 = arith.constant 0 : i32
    %dma_start3A_258 = tpu.memref_slice %arg4[%add3A_256, %dma_start3A_257] : memref<4096x1024xf32, #tpu.memory_space<hbm>> -> memref<8x1024xf32, #tpu.memory_space<hbm>>
    %dma_start3A_259 = arith.constant 0 : i32
    %dma_start3A_260 = tpu.memref_slice %arg4[%add3A_256, %dma_start3A_259] : memref<4096x1024xf32, #tpu.memory_space<hbm>> -> memref<8x1024xf32, #tpu.memory_space<hbm>>
    tpu.enqueue_dma source(%arg6 : memref<8x1024xf32, #tpu.memory_space<vmem>>) target(%dma_start3A_260 : memref<8x1024xf32, #tpu.memory_space<hbm>>) target_semaphore(%arg36 : memref<!tpu.dma_semaphore, #tpu.memory_space<semaphore_mem>>)
    %dma_wait3A_261 = arith.constant 0 : i32
    %dma_wait3A_262 = tpu.memref_slice %arg4[%add3A_93, %dma_wait3A_261] : memref<4096x1024xf32, #tpu.memory_space<hbm>> -> memref<8x1024xf32, #tpu.memory_space<hbm>>
    %dma_wait3A_263 = arith.constant 0 : i32
    %dma_wait3A_264 = tpu.memref_slice %arg4[%add3A_93, %dma_wait3A_263] : memref<4096x1024xf32, #tpu.memory_space<hbm>> -> memref<8x1024xf32, #tpu.memory_space<hbm>>
    tpu.wait_dma2 semaphore(%arg37 : memref<!tpu.dma_semaphore, #tpu.memory_space<semaphore_mem>>) src(%arg7 : memref<8x1024xf32, #tpu.memory_space<vmem>>) dst(%dma_wait3A_264 : memref<8x1024xf32, #tpu.memory_space<hbm>>)
    %dma_wait3A_265 = arith.constant 0 : i32
    %dma_wait3A_266 = tpu.memref_slice %arg4[%add3A_104, %dma_wait3A_265] : memref<4096x1024xf32, #tpu.memory_space<hbm>> -> memref<8x1024xf32, #tpu.memory_space<hbm>>
    %dma_wait3A_267 = arith.constant 0 : i32
    %dma_wait3A_268 = tpu.memref_slice %arg4[%add3A_104, %dma_wait3A_267] : memref<4096x1024xf32, #tpu.memory_space<hbm>> -> memref<8x1024xf32, #tpu.memory_space<hbm>>
    tpu.wait_dma2 semaphore(%arg38 : memref<!tpu.dma_semaphore, #tpu.memory_space<semaphore_mem>>) src(%arg8 : memref<8x1024xf32, #tpu.memory_space<vmem>>) dst(%dma_wait3A_268 : memref<8x1024xf32, #tpu.memory_space<hbm>>)
    %dma_wait3A_269 = arith.constant 0 : i32
    %dma_wait3A_270 = tpu.memref_slice %arg4[%add3A_124, %dma_wait3A_269] : memref<4096x1024xf32, #tpu.memory_space<hbm>> -> memref<8x1024xf32, #tpu.memory_space<hbm>>
    %dma_wait3A_271 = arith.constant 0 : i32
    %dma_wait3A_272 = tpu.memref_slice %arg4[%add3A_124, %dma_wait3A_271] : memref<4096x1024xf32, #tpu.memory_space<hbm>> -> memref<8x1024xf32, #tpu.memory_space<hbm>>
    tpu.wait_dma2 semaphore(%arg39 : memref<!tpu.dma_semaphore, #tpu.memory_space<semaphore_mem>>) src(%arg9 : memref<8x1024xf32, #tpu.memory_space<vmem>>) dst(%dma_wait3A_272 : memref<8x1024xf32, #tpu.memory_space<hbm>>)
    %dma_wait3A_273 = arith.constant 0 : i32
    %dma_wait3A_274 = tpu.memref_slice %arg4[%add3A_135, %dma_wait3A_273] : memref<4096x1024xf32, #tpu.memory_space<hbm>> -> memref<8x1024xf32, #tpu.memory_space<hbm>>
    %dma_wait3A_275 = arith.constant 0 : i32
    %dma_wait3A_276 = tpu.memref_slice %arg4[%add3A_135, %dma_wait3A_275] : memref<4096x1024xf32, #tpu.memory_space<hbm>> -> memref<8x1024xf32, #tpu.memory_space<hbm>>
    tpu.wait_dma2 semaphore(%arg40 : memref<!tpu.dma_semaphore, #tpu.memory_space<semaphore_mem>>) src(%arg10 : memref<8x1024xf32, #tpu.memory_space<vmem>>) dst(%dma_wait3A_276 : memref<8x1024xf32, #tpu.memory_space<hbm>>)
    %dma_wait3A_277 = arith.constant 0 : i32
    %dma_wait3A_278 = tpu.memref_slice %arg4[%add3A_146, %dma_wait3A_277] : memref<4096x1024xf32, #tpu.memory_space<hbm>> -> memref<8x1024xf32, #tpu.memory_space<hbm>>
    %dma_wait3A_279 = arith.constant 0 : i32
    %dma_wait3A_280 = tpu.memref_slice %arg4[%add3A_146, %dma_wait3A_279] : memref<4096x1024xf32, #tpu.memory_space<hbm>> -> memref<8x1024xf32, #tpu.memory_space<hbm>>
    tpu.wait_dma2 semaphore(%arg41 : memref<!tpu.dma_semaphore, #tpu.memory_space<semaphore_mem>>) src(%arg11 : memref<8x1024xf32, #tpu.memory_space<vmem>>) dst(%dma_wait3A_280 : memref<8x1024xf32, #tpu.memory_space<hbm>>)
    %dma_wait3A_281 = arith.constant 0 : i32
    %dma_wait3A_282 = tpu.memref_slice %arg4[%add3A_157, %dma_wait3A_281] : memref<4096x1024xf32, #tpu.memory_space<hbm>> -> memref<8x1024xf32, #tpu.memory_space<hbm>>
    %dma_wait3A_283 = arith.constant 0 : i32
    %dma_wait3A_284 = tpu.memref_slice %arg4[%add3A_157, %dma_wait3A_283] : memref<4096x1024xf32, #tpu.memory_space<hbm>> -> memref<8x1024xf32, #tpu.memory_space<hbm>>
    tpu.wait_dma2 semaphore(%arg42 : memref<!tpu.dma_semaphore, #tpu.memory_space<semaphore_mem>>) src(%arg12 : memref<8x1024xf32, #tpu.memory_space<vmem>>) dst(%dma_wait3A_284 : memref<8x1024xf32, #tpu.memory_space<hbm>>)
    %dma_wait3A_285 = arith.constant 0 : i32
    %dma_wait3A_286 = tpu.memref_slice %arg4[%add3A_168, %dma_wait3A_285] : memref<4096x1024xf32, #tpu.memory_space<hbm>> -> memref<8x1024xf32, #tpu.memory_space<hbm>>
    %dma_wait3A_287 = arith.constant 0 : i32
    %dma_wait3A_288 = tpu.memref_slice %arg4[%add3A_168, %dma_wait3A_287] : memref<4096x1024xf32, #tpu.memory_space<hbm>> -> memref<8x1024xf32, #tpu.memory_space<hbm>>
    tpu.wait_dma2 semaphore(%arg43 : memref<!tpu.dma_semaphore, #tpu.memory_space<semaphore_mem>>) src(%arg13 : memref<8x1024xf32, #tpu.memory_space<vmem>>) dst(%dma_wait3A_288 : memref<8x1024xf32, #tpu.memory_space<hbm>>)
    %dma_wait3A_289 = arith.constant 0 : i32
    %dma_wait3A_290 = tpu.memref_slice %arg4[%add3A_179, %dma_wait3A_289] : memref<4096x1024xf32, #tpu.memory_space<hbm>> -> memref<8x1024xf32, #tpu.memory_space<hbm>>
    %dma_wait3A_291 = arith.constant 0 : i32
    %dma_wait3A_292 = tpu.memref_slice %arg4[%add3A_179, %dma_wait3A_291] : memref<4096x1024xf32, #tpu.memory_space<hbm>> -> memref<8x1024xf32, #tpu.memory_space<hbm>>
    tpu.wait_dma2 semaphore(%arg44 : memref<!tpu.dma_semaphore, #tpu.memory_space<semaphore_mem>>) src(%arg14 : memref<8x1024xf32, #tpu.memory_space<vmem>>) dst(%dma_wait3A_292 : memref<8x1024xf32, #tpu.memory_space<hbm>>)
    %dma_wait3A_293 = arith.constant 0 : i32
    %dma_wait3A_294 = tpu.memref_slice %arg4[%add3A_190, %dma_wait3A_293] : memref<4096x1024xf32, #tpu.memory_space<hbm>> -> memref<8x1024xf32, #tpu.memory_space<hbm>>
    %dma_wait3A_295 = arith.constant 0 : i32
    %dma_wait3A_296 = tpu.memref_slice %arg4[%add3A_190, %dma_wait3A_295] : memref<4096x1024xf32, #tpu.memory_space<hbm>> -> memref<8x1024xf32, #tpu.memory_space<hbm>>
    tpu.wait_dma2 semaphore(%arg45 : memref<!tpu.dma_semaphore, #tpu.memory_space<semaphore_mem>>) src(%arg15 : memref<8x1024xf32, #tpu.memory_space<vmem>>) dst(%dma_wait3A_296 : memref<8x1024xf32, #tpu.memory_space<hbm>>)
    %dma_wait3A_297 = arith.constant 0 : i32
    %dma_wait3A_298 = tpu.memref_slice %arg4[%add3A_201, %dma_wait3A_297] : memref<4096x1024xf32, #tpu.memory_space<hbm>> -> memref<8x1024xf32, #tpu.memory_space<hbm>>
    %dma_wait3A_299 = arith.constant 0 : i32
    %dma_wait3A_300 = tpu.memref_slice %arg4[%add3A_201, %dma_wait3A_299] : memref<4096x1024xf32, #tpu.memory_space<hbm>> -> memref<8x1024xf32, #tpu.memory_space<hbm>>
    tpu.wait_dma2 semaphore(%arg46 : memref<!tpu.dma_semaphore, #tpu.memory_space<semaphore_mem>>) src(%arg16 : memref<8x1024xf32, #tpu.memory_space<vmem>>) dst(%dma_wait3A_300 : memref<8x1024xf32, #tpu.memory_space<hbm>>)
    %dma_wait3A_301 = arith.constant 0 : i32
    %dma_wait3A_302 = tpu.memref_slice %arg4[%add3A_212, %dma_wait3A_301] : memref<4096x1024xf32, #tpu.memory_space<hbm>> -> memref<8x1024xf32, #tpu.memory_space<hbm>>
    %dma_wait3A_303 = arith.constant 0 : i32
    %dma_wait3A_304 = tpu.memref_slice %arg4[%add3A_212, %dma_wait3A_303] : memref<4096x1024xf32, #tpu.memory_space<hbm>> -> memref<8x1024xf32, #tpu.memory_space<hbm>>
    tpu.wait_dma2 semaphore(%arg47 : memref<!tpu.dma_semaphore, #tpu.memory_space<semaphore_mem>>) src(%arg17 : memref<8x1024xf32, #tpu.memory_space<vmem>>) dst(%dma_wait3A_304 : memref<8x1024xf32, #tpu.memory_space<hbm>>)
    %dma_wait3A_305 = arith.constant 0 : i32
    %dma_wait3A_306 = tpu.memref_slice %arg4[%add3A_223, %dma_wait3A_305] : memref<4096x1024xf32, #tpu.memory_space<hbm>> -> memref<8x1024xf32, #tpu.memory_space<hbm>>
    %dma_wait3A_307 = arith.constant 0 : i32
    %dma_wait3A_308 = tpu.memref_slice %arg4[%add3A_223, %dma_wait3A_307] : memref<4096x1024xf32, #tpu.memory_space<hbm>> -> memref<8x1024xf32, #tpu.memory_space<hbm>>
    tpu.wait_dma2 semaphore(%arg48 : memref<!tpu.dma_semaphore, #tpu.memory_space<semaphore_mem>>) src(%arg18 : memref<8x1024xf32, #tpu.memory_space<vmem>>) dst(%dma_wait3A_308 : memref<8x1024xf32, #tpu.memory_space<hbm>>)
    %dma_wait3A_309 = arith.constant 0 : i32
    %dma_wait3A_310 = tpu.memref_slice %arg4[%add3A_234, %dma_wait3A_309] : memref<4096x1024xf32, #tpu.memory_space<hbm>> -> memref<8x1024xf32, #tpu.memory_space<hbm>>
    %dma_wait3A_311 = arith.constant 0 : i32
    %dma_wait3A_312 = tpu.memref_slice %arg4[%add3A_234, %dma_wait3A_311] : memref<4096x1024xf32, #tpu.memory_space<hbm>> -> memref<8x1024xf32, #tpu.memory_space<hbm>>
    tpu.wait_dma2 semaphore(%arg49 : memref<!tpu.dma_semaphore, #tpu.memory_space<semaphore_mem>>) src(%arg19 : memref<8x1024xf32, #tpu.memory_space<vmem>>) dst(%dma_wait3A_312 : memref<8x1024xf32, #tpu.memory_space<hbm>>)
    %dma_wait3A_313 = arith.constant 0 : i32
    %dma_wait3A_314 = tpu.memref_slice %arg4[%add3A_245, %dma_wait3A_313] : memref<4096x1024xf32, #tpu.memory_space<hbm>> -> memref<8x1024xf32, #tpu.memory_space<hbm>>
    %dma_wait3A_315 = arith.constant 0 : i32
    %dma_wait3A_316 = tpu.memref_slice %arg4[%add3A_245, %dma_wait3A_315] : memref<4096x1024xf32, #tpu.memory_space<hbm>> -> memref<8x1024xf32, #tpu.memory_space<hbm>>
    tpu.wait_dma2 semaphore(%arg50 : memref<!tpu.dma_semaphore, #tpu.memory_space<semaphore_mem>>) src(%arg20 : memref<8x1024xf32, #tpu.memory_space<vmem>>) dst(%dma_wait3A_316 : memref<8x1024xf32, #tpu.memory_space<hbm>>)
    %dma_wait3A_317 = arith.constant 0 : i32
    %dma_wait3A_318 = tpu.memref_slice %arg4[%add3A_256, %dma_wait3A_317] : memref<4096x1024xf32, #tpu.memory_space<hbm>> -> memref<8x1024xf32, #tpu.memory_space<hbm>>
    %dma_wait3A_319 = arith.constant 0 : i32
    %dma_wait3A_320 = tpu.memref_slice %arg4[%add3A_256, %dma_wait3A_319] : memref<4096x1024xf32, #tpu.memory_space<hbm>> -> memref<8x1024xf32, #tpu.memory_space<hbm>>
    tpu.wait_dma2 semaphore(%arg36 : memref<!tpu.dma_semaphore, #tpu.memory_space<semaphore_mem>>) src(%arg6 : memref<8x1024xf32, #tpu.memory_space<vmem>>) dst(%dma_wait3A_320 : memref<8x1024xf32, #tpu.memory_space<hbm>>)
    return
  }
}

</mosaic_0001>

<sc_bundles>
// kernel: _gather.3.cloned.1.call-start
scs
__scs_entry_jumppad:
0x0: {  	(pc) =	sbr.rel $0x88, $3  }
0x1: {  	(tag) =	ssettag $0x0;
	lr =	simm.s32 $0x1  }
0x2: {  	[smem:$0x3F9F] =	sst lr;
	_ =	strace $0xD0000000  }
0x3: {  	_ = 	snop  }
0x4: {  	_ = 	snop  }
0x5: {  	_ = 	snop  }
0x6: {  	_ = 	snop  }
0x7: {  	_ = 	snop  }
__scs_overlays_trampoline_lowered:
0x8: {  	[smem:$0x3FAE] =	sst s0  }
0x9: {  	[smem:$0x3FAF] =	sst s1  }
0xa: {  	[smem:$0x3FB0] =	sst s2  }
0xb: {  	[smem:$0x3FB1] =	sst s3  }
0xc: {  	[smem:$0x3FB2] =	sst s4  }
0xd: {  	[smem:$0x3FB3] =	sst s5  }
0xe: {  	[smem:$0x3FB4] =	sst s6  }
0xf: {  	[smem:$0x3FB5] =	sst s7  }
0x10: {  	[smem:$0x3FB6] =	sst s8  }
0x11: {  	[smem:$0x3FB7] =	sst s9;
	s0 =	simm.s32 @!p0 $0x0  }
0x12: {  	s1 =	sld [smem:$0x3F9D];
	s0 =	simm.s32 @p0 $0x1  }
0x13: {  	[smem:$0x3FB8] =	sst s0;
	s0 =	simm.s32 @!p1 $0x0  }
0x14: {  	s2 =	sld [smem:$0x3F9C];
	s0 =	simm.s32 @p1 $0x1  }
0x15: {  	[smem:$0x3FB9] =	sst s0;
	s0 =	simm.s32 @!p2 $0x0  }
0x16: {  	s3 =	sld [smem:$0x3FDB];
	s0 =	simm.s32 @p2 $0x1  }
0x17: {  	s4 =	simm.s32 $0x1BF5;
	[smem:$0x3FBB] =	sst s0  }
0x18: {  	s0 =	sld [smem:$0x3F9E];
	_ =	swait.ge [sflag:s4], $0x0  }
0x19: {  	s7 =	sld [smem:$0x3F9F]  }
0x1a: {  	s8 =	sadd.s32 $0xFFFFE003, lr  }
0x1b: {  	s9 =	sadd.s32 $0xFFFFFEF7, lr;
	s5 =	simm.s32 $0xFFFFFFFF;
	p2 =	slt.u32 s8, $0xFFFFF086  }
0x1c: {  	p1 =	slt.u32 s9, $0xF7A;
	s5 =	simm.s32 @!p2 $0x0  }
0x1d: {  	s5 =	simm.s32 @p1 $0x1;
	p0 =	seq.s32 s7, s2  }
0x1e: {  	s7 =	smul.u32 @!p0 $0xF7A, s2;
	p2 =	seq.s32 @!p0 s5, $0x0  }
0x1f: {  	s9 =	smul.u32 $0xF7A, s1;
	s8 =	simm.s32 @!p0 $0x1BF5;
	p2 =	por !p2, p0  }
0x20: {  	[sflag:s8] =	ssyncset.s32 @!p0 $0xFFFFF086;
	s6 =	sadd.s32 @!p0 s3, s7;
	s7 =	simm.s32 @!p0 $0x108  }
0x21: {  	s3 =	sadd.s32 s3, s9;
	s6 =	sadd.s32 @!p0 $0x88, s6;
	s7 =	simm.s32 @p2 $0x1082  }
0x22: {  	[simem:s7], [sflag:s8] =	dma.local @!p0 [hbm:s6], $0xF7A  }
0x23: {  	s9 =	sor.u32 $0xD0000000, s2;
	s6 =	simm.s32 $0x108;
	_ =	swait.ge @!p0 [sflag:s8], $0x0  }
0x24: {  	s3 =	sadd.s32 $0x88, s3;
	s6 =	simm.s32 @!p1 $0x1082;
	[sflag:s4] =	ssyncset.s32 $0xFFFFF086  }
0x25: {  	[simem:s6], [sflag:s4] =	dma.local [hbm:s3], $0xF7A  }
0x26: {  	[smem:$0x3F9F] =	sst s1;
	(tag) =	ssettag s2;
	_ =	strace s9  }
0x27: {  	s1 =	sld [smem:$0x3FAF]  }
0x28: {  	s2 =	sld [smem:$0x3FB0]  }
0x29: {  	s4 =	sld [smem:$0x3FB2]  }
0x2a: {  	p0 =	seq.s32 s5, $0x0;
	s5 =	sld [smem:$0x3FB3]  }
0x2b: {  	s6 =	sld [smem:$0x3FB4]  }
0x2c: {  	s7 =	sld [smem:$0x3FB5]  }
0x2d: {  	s3 =	simm.s32 $0x108;
	s8 =	sld [smem:$0x3FB6]  }
0x2e: {  	s3 =	simm.s32 @!p0 $0x1082;
	s9 =	sld [smem:$0x3FB7]  }
0x2f: {  	lr =	sadd.s32 s0, s3;
	s0 =	sld [smem:$0x3FAE]  }
0x30: {  	s3 =	sld [smem:$0x3FB1]  }
0x31: {  	[smem:$0x3FBA] =	sst s10  }
0x32: {  	s10 =	sld [smem:$0x3FB8];
	_ =	sdelay $0x3  }
0x33: {  	p0 =	seq.s32 s10, $0x1;
	s10 =	sld [smem:$0x3FBA];
	_ =	sdelay $0x3  }
0x34: {  	[smem:$0x3FBA] =	sst s10  }
0x35: {  	s10 =	sld [smem:$0x3FB9];
	_ =	sdelay $0x3  }
0x36: {  	p1 =	seq.s32 s10, $0x1;
	s10 =	sld [smem:$0x3FBA];
	_ =	sdelay $0x3  }
0x37: {  	[smem:$0x3FBA] =	sst s10  }
0x38: {  	s10 =	sld [smem:$0x3FBB]  }
0x39: {  	_ = 	snop;
	(pc) =	sbr.ind lr, $3  }
0x3a: {  	_ = 	snop  }
0x3b: {  	_ = 	snop  }
0x3c: {  	p2 =	seq.s32 s10, $0x1;
	s10 =	sld [smem:$0x3FBA]  }
0x3d: {  	_ =	shalt  }
0x3e: {  	_ =	shalt  }
0x3f: {  	_ =	shalt  }
0x40: {  	_ =	shalt  }
0x41: {  	_ =	shalt  }
0x42: {  	_ =	shalt  }
0x43: {  	_ =	shalt  }
0x44: {  	_ =	shalt  }
0x45: {  	_ =	shalt  }
0x46: {  	_ =	shalt  }
0x47: {  	_ =	shalt  }
0x48: {  	_ =	shalt  }
0x49: {  	_ =	shalt  }
0x4a: {  	_ =	shalt  }
0x4b: {  	_ =	shalt  }
0x4c: {  	_ =	shalt  }
0x4d: {  	_ =	shalt  }
0x4e: {  	_ =	shalt  }
0x4f: {  	_ =	shalt  }
0x50: {  	_ =	shalt  }
0x51: {  	_ =	shalt  }
0x52: {  	_ =	shalt  }
0x53: {  	_ =	shalt  }
0x54: {  	_ =	shalt  }
0x55: {  	_ =	shalt  }
0x56: {  	_ =	shalt  }
0x57: {  	_ =	shalt  }
0x58: {  	_ =	shalt  }
0x59: {  	_ =	shalt  }
0x5a: {  	_ =	shalt  }
0x5b: {  	_ =	shalt  }
0x5c: {  	_ =	shalt  }
0x5d: {  	_ =	shalt  }
0x5e: {  	_ =	shalt  }
0x5f: {  	_ =	shalt  }
0x60: {  	_ =	shalt  }
0x61: {  	_ =	shalt  }
0x62: {  	_ =	shalt  }
0x63: {  	_ =	shalt  }
0x64: {  	_ =	shalt  }
0x65: {  	_ =	shalt  }
0x66: {  	_ =	shalt  }
0x67: {  	_ =	shalt  }
0x68: {  	_ =	shalt  }
0x69: {  	_ =	shalt  }
0x6a: {  	_ =	shalt  }
0x6b: {  	_ =	shalt  }
0x6c: {  	_ =	shalt  }
0x6d: {  	_ =	shalt  }
0x6e: {  	_ =	shalt  }
0x6f: {  	_ =	shalt  }
0x70: {  	_ =	shalt  }
0x71: {  	_ =	shalt  }
0x72: {  	_ =	shalt  }
0x73: {  	_ =	shalt  }
0x74: {  	_ =	shalt  }
0x75: {  	_ =	shalt  }
0x76: {  	_ =	shalt  }
0x77: {  	_ =	shalt  }
0x78: {  	_ =	shalt  }
0x79: {  	_ =	shalt  }
0x7a: {  	_ =	shalt  }
0x7b: {  	_ =	shalt  }
0x7c: {  	_ =	shalt  }
0x7d: {  	_ =	shalt  }
0x7e: {  	_ =	shalt  }
0x7f: {  	_ =	shalt  }
0x80: {  	_ =	shalt  }
0x81: {  	_ =	shalt  }
0x82: {  	_ =	shalt  }
0x83: {  	_ =	shalt  }
0x84: {  	_ =	shalt  }
0x85: {  	_ =	shalt  }
0x86: {  	_ =	shalt  }
0x87: {  	_ =	shalt  }
.Lfunc_end0:
.L_simem_size_0:
called_computation_lowered:
.L_overlay_start_0:
0x88: {  	s2 =	sld [smem:$0x3FD9]  }
0x89: {  	s3 =	sld [smem:$0x3FFE];
	_ =	sdelay $0x1  }
0x8a: {  	s1 =	srdreg.scid  }
0x8b: {  	s0 =	sand.u32 $0x1, s1  }
0x8c: {  	s18 =	sshll.u32 s0, $0xA;
	s2 =	sadd.s32 s3, s2  }
0x8d: {  	s2 =	sadd.s32 s2, s18  }
0x8e: {  	[smem:$0x3FC6] =	sst s2  }
0x8f: {  	_ = 	snop  }
0x90: {  	s2 =	sld [smem:$0x3FC9]  }
0x91: {  	s19 =	sld [smem:$0x3FC8]  }
0x92: {  	s4 =	sld [smem:$0x3FD0];
	(tm) =	ssettm $0x1  }
0x93: {  	s5 =	sld [smem:$0x3FFB];
	_ =	sdelay $0x3  }
0x94: {  	_ =	strace s5  }
0x95: {  	s5 =	sld [smem:$0x3FFC];
	_ =	sdelay $0x3  }
0x96: {  	_ =	strace s5  }
0x97: {  	s5 =	sld [smem:$0x3FFD];
	_ =	sdelay $0x3  }
0x98: {  	_ =	strace s5  }
0x99: {  	_ =	strace $0x8FFFFFFF  }
0x9a: {  	s20 =	sld [smem:$0x3FDB];
	_ =	sdelay $0x1  }
0x9b: {  	s6 =	simm.s32 $_scs_section_size  }
0x9c: {  	s7 =	simm.s32 $_size__tile_overlayer_lowered;
	s8 =	simm.s32 $_tile_overlayer_lowered  }
0x9d: {  	s23 =	simm.s32 $0x1BFF;
	s22 =	sshll.u32 s8, $0x1;
	s5 =	sadd.s32 s6, s20  }
0x9e: {  	s9 =	simm.s32 $0x0;
	s21 =	sshll.u32 s7, $0x1;
	s7 =	sadd.s32 s22, s5  }
0x9f: {  	[timem:s9], [sflag:s23] =	dma.local [hbm:s7], s21  }
0xa0: {  	_ =	swait.ge [sflag:s23], s21  }
0xa1: {  	s6 =	ssub.s32 $0x0, s21;
	[sflag:s23] =	ssyncset.done $0x0  }
0xa2: {  	[sflag:s23] =	ssyncadd.s32 s6;
	_ =	sdelay $0x1  }
0xa3: {  	s24 =	simm.s32 $0x1B8B  }
0xa4: {  	_ =	swait.ge [sflag:s24], $0x1  }
0xa5: {  	[sflag:s24] =	ssyncset.done $0x0  }
0xa6: {  	s25 =	simm.s32 $0x1B8E;
	[sflag:s24] =	ssyncadd.s32 $0xFFFFFFFF  }
0xa7: {  	s26 =	simm.s32 $execute0_lowered;
	[smem:$0x3FD2] =	sst s25  }
0xa8: {  	s6 =	sshll.u32 s26, $0x1;
	_ =	strace $0x80000046;
	[dreg:$0x1] =	wrdreg $0xFFFFFFFF  }
0xa9: {  	s28 =	simm.s32 $_size_execute0_lowered;
	s5 =	sadd.s32 s5, s6;
	[dreg:$0x0] =	wrdreg $0x0  }
0xaa: {  	s6 =	sshll.u32 s28, $0x1;
	[dreg:$0x2] =	wrdreg s5  }
0xab: {  	[dreg:$0x3] =	wrdreg s6  }
0xac: {  	[dreg:$0x4] =	wrdreg $0xC0  }
0xad: {  	_ =	task [dreg:s9], $0x5FFFF  }
0xae: {  	[dreg:$0x1] =	wrdreg $0xFFFFFFFF  }
0xaf: {  	[dreg:$0x0] =	wrdreg $0x60  }
0xb0: {  	[dreg:$0x2] =	wrdreg s2  }
0xb1: {  	[dreg:$0x3] =	wrdreg s19  }
0xb2: {  	[dreg:$0x4] =	wrdreg s4  }
0xb3: {  	[dreg:$0x5] =	wrdreg $0x9  }
0xb4: {  	_ =	task.clear_ibuf [dreg:s9], $0x6FFFF;
	_ =	strace $0x90000046  }
0xb5: {  	s29 =	simm.s32 $0x9;
	_ =	strace $0x80000048  }
0xb6: {  	_ =	swait.ge [sflag:s29], $0x1  }
0xb7: {  	[sflag:s29] =	ssyncadd.s32 $0xFFFFFFFF  }
0xb8: {  	_ =	strace $0x90000048  }
0xb9: {  	_ =	sfence  }
0xba: {  	s30 =	sld [smem:$0x0];
	_ =	sdelay $0x2  }
0xbb: {  	s31 =	sshll.u32 s1, $0xD;
	s1 =	sshrl.u32 s1, $0x2  }
0xbc: {  	s3 =	sand.u32 $0x4000, s31;
	s1 =	sadd.s32 s1, s30  }
0xbd: {  	s0 =	sor.u32 s3, s0;
	s1 =	sshll.u32 s1, $0x11  }
0xbe: {  	s0 =	sor.u32 s1, s0  }
0xbf: {  	s0 =	sadd.s32 $0x8F2B, s0  }
0xc0: {  	[sflag:s0] =	ssyncadd.remote.s32 $0x1  }
0xc1: {  	_ =	sfence.sel $0xFFFF  }
0xc2: {  	[dreg:$0x0] =	wrdreg $0xFFFFFFFF;
	(pc) =	sbr.abs _section_cstart, $3  }
0xc3: {  	[dreg:$0x1] =	wrdreg $0xFFFFFFFF  }
0xc4: {  	_ =	task.clear_ibuf [dreg:s9], $0x2FFFF;
	_ =	strace $0x9FFFFFFF  }
0xc5: {  	(tm) =	ssettm $0x7FFFFFFF  }
tec
execute0_lowered:
.L_overlay_start_1:
0x0: {  	(tag) =	ssettag $0x1  }
0x1: {  	s1 =	rddreg [dreg:$0x0]  }
0x2: {  	s2 =	rddreg [dreg:$0x1];
	s3 =	stileid.u32  }
0x3: {  	s4 =	rddreg [dreg:$0x2];
	s5 =	sshll.u32 s3, $0x8;
	s3 =	simm.s32 $0x0  }
0x4: {  	s7 =	simm.s32 $0x2880;
	[smem:$0x7FF] =	sst s3  }
0x5: {  	s8 =	simm.s32 $0x3080;
	_ =	strace $0x80000047;
	[dreg:$0x14] =	wrdreg s7  }
0x6: {  	s9 =	simm.s32 $0x3880;
	[dreg:$0x15] =	wrdreg s8  }
0x7: {  	s10 =	simm.s32 $0x4880;
	[dreg:$0x16] =	wrdreg s9  }
0x8: {  	s11 =	simm.s32 $0x5080;
	[dreg:$0x17] =	wrdreg s10  }
0x9: {  	s12 =	simm.s32 $0x5880;
	[dreg:$0x18] =	wrdreg s11  }
0xa: {  	s13 =	simm.s32 $0x6880;
	[dreg:$0x19] =	wrdreg s12  }
0xb: {  	[dreg:$0x1a] =	wrdreg s13;
	s7 =	simm.s32 $0x11080  }
0xc: {  	s8 =	simm.s32 $0x11880;
	[smem:$0x7EA] =	sst s7  }
0xd: {  	s0 =	srdreg.scid;
	s9 =	simm.s32 $0x12880;
	[smem:$0x7EB] =	sst s8  }
0xe: {  	s0 =	sand.u32 $0x1, s0;
	s10 =	simm.s32 $0x13080;
	[smem:$0x7EC] =	sst s9  }
0xf: {  	s6 =	sshll.u32 s0, $0x7;
	s11 =	simm.s32 $0x13880;
	[smem:$0x7ED] =	sst s10  }
0x10: {  	s5 =	sor.u32 s6, s5;
	s12 =	simm.s32 $0x14880;
	[smem:$0x7EE] =	sst s11  }
0x11: {  	s13 =	simm.s32 $0x15080;
	s6 =	sshrl.u32 s5, $0x3;
	[smem:$0x7EF] =	sst s12  }
0x12: {  	s5 =	sshll.u32 s5, $0x7;
	[smem:$0x7F0] =	sst s13;
	s2 =	sadd.s32 s2, s6  }
0x13: {  	s4 =	sadd.s32 s4, s5;
	[dreg:$0x4] =	wrdreg s2  }
0x14: {  	s14 =	sadd.s32 $0x400, s4;
	[smem:$0x7DF] =	sst s4  }
0x15: {  	s15 =	sadd.s32 $0x800, s4;
	[dreg:$0x5] =	wrdreg s14  }
0x16: {  	s16 =	sadd.s32 $0xC00, s4;
	[dreg:$0x6] =	wrdreg s15  }
0x17: {  	s17 =	sadd.s32 $0x1000, s4;
	[dreg:$0x7] =	wrdreg s16  }
0x18: {  	s18 =	sadd.s32 $0x1400, s4;
	[dreg:$0x8] =	wrdreg s17  }
0x19: {  	s19 =	sadd.s32 $0x1800, s4;
	[dreg:$0x9] =	wrdreg s18  }
0x1a: {  	s20 =	sadd.s32 $0x1C00, s4;
	[dreg:$0xa] =	wrdreg s19  }
0x1b: {  	s21 =	sadd.s32 $0x2000, s4;
	[dreg:$0xb] =	wrdreg s20  }
0x1c: {  	s22 =	sadd.s32 $0x2400, s4;
	[dreg:$0xc] =	wrdreg s21  }
0x1d: {  	s23 =	sadd.s32 $0x2800, s4;
	[dreg:$0xd] =	wrdreg s22  }
0x1e: {  	s24 =	sadd.s32 $0x2C00, s4;
	[dreg:$0xe] =	wrdreg s23  }
0x1f: {  	s25 =	sadd.s32 $0x3000, s4;
	[dreg:$0xf] =	wrdreg s24  }
0x20: {  	s26 =	sadd.s32 $0x3400, s4;
	[dreg:$0x10] =	wrdreg s25  }
0x21: {  	s5 =	sadd.s32 $0x3800, s4;
	[dreg:$0x11] =	wrdreg s26  }
0x22: {  	s6 =	sadd.s32 $0x3C00, s4;
	[dreg:$0x12] =	wrdreg s5  }
0x23: {  	s4 =	simm.s32 $0xF880;
	[dreg:$0x13] =	wrdreg s6  }
0x24: {  	s14 =	simm.s32 $0x7080;
	[smem:$0x7E8] =	sst s4  }
0x25: {  	s15 =	simm.s32 $0x7880;
	[dreg:$0x1b] =	wrdreg s14  }
0x26: {  	s16 =	simm.s32 $0x8880;
	[dreg:$0x1c] =	wrdreg s15  }
0x27: {  	s17 =	simm.s32 $0x9080;
	[dreg:$0x1d] =	wrdreg s16  }
0x28: {  	s18 =	simm.s32 $0x9880;
	[dreg:$0x1e] =	wrdreg s17  }
0x29: {  	s19 =	simm.s32 $0xA880;
	[dreg:$0x1f] =	wrdreg s18  }
0x2a: {  	s20 =	simm.s32 $0xB080;
	[smem:$0x7E0] =	sst s19  }
0x2b: {  	s21 =	simm.s32 $0xB880;
	[smem:$0x7E1] =	sst s20  }
0x2c: {  	s22 =	simm.s32 $0xC880;
	[smem:$0x7E2] =	sst s21  }
0x2d: {  	s23 =	simm.s32 $0xD080;
	[smem:$0x7E3] =	sst s22  }
0x2e: {  	s29 =	simm.s32 $0x1;
	s24 =	simm.s32 $0xD880;
	[smem:$0x7E4] =	sst s23  }
0x2f: {  	s28 =	simm.s32 $0x12080;
	s25 =	simm.s32 $0xE880;
	[smem:$0x7E5] =	sst s24  }
0x30: {  	s30 =	simm.s32 $0x18080;
	s26 =	simm.s32 $0xF080;
	[smem:$0x7E6] =	sst s25  }
0x31: {  	s31 =	simm.s32 $0x1A080;
	s5 =	simm.s32 $0x10880;
	[smem:$0x7E7] =	sst s26  }
0x32: {  	s0 =	ssub.s32 $0x2, s0;
	[smem:$0x7E9] =	sst s5;
	s14 =	simm.s32 $0x15880  }
0x33: {  	s7 =	sadd.s32 $0x300, s1;
	s15 =	simm.s32 $0x16880;
	[smem:$0x7F1] =	sst s14  }
0x34: {  	s10 =	simm.s32 $0x80;
	s16 =	simm.s32 $0x17080;
	[smem:$0x7F2] =	sst s15  }
0x35: {  	s11 =	simm.s32 $0x1C;
	s17 =	simm.s32 $0x17880;
	[smem:$0x7F3] =	sst s16  }
0x36: {  	s12 =	simm.s32 $0x1D;
	s18 =	simm.s32 $0x18880;
	[smem:$0x7F4] =	sst s17  }
0x37: {  	s13 =	simm.s32 $0x1E;
	s19 =	simm.s32 $0x19080;
	[smem:$0x7F5] =	sst s18  }
0x38: {  	s9 =	simm.s32 $0x16080;
	s20 =	simm.s32 $0x19880;
	[smem:$0x7F6] =	sst s19  }
0x39: {  	s2 =	simm.s32 $0x10;
	s21 =	simm.s32 $0x1A880;
	[smem:$0x7F7] =	sst s20  }
0x3a: {  	s6 =	sshrl.u32 s0, $0x1;
	s22 =	simm.s32 $0x1B080;
	[smem:$0x7F8] =	sst s21  }
0x3b: {  	s0 =	ssub.s32 s0, s6;
	s23 =	simm.s32 $0x1B880;
	[smem:$0x7F9] =	sst s22  }
0x3c: {  	s5 =	sadd.s32 $0x100, s1;
	s24 =	simm.s32 $0x1C880;
	[smem:$0x7FA] =	sst s23  }
0x3d: {  	s6 =	sadd.s32 $0x200, s1;
	s25 =	simm.s32 $0x1D080;
	[smem:$0x7FB] =	sst s24  }
0x3e: {  	s26 =	simm.s32 $0x1D880;
	s8 =	smax.u32 s0, $0x1;
	[smem:$0x7FC] =	sst s25  }
0x3f: {  	[smem:$0x7FD] =	sst s26;
	s16 =	simm.s32 $0x880;
	s17 =	simm.s32 $0x1080  }
0x40: {  	v0 =	vlaneseq.u32;
	s18 =	simm.s32 $0x1880;
	s19 =	simm.s32 $0x2080;
	s20 =	simm.s32 $0x4080  }
0x41: {  	v1 =	vshrl.u32 v0, $0x3;
	s21 =	simm.s32 $0x6080;
	s22 =	simm.s32 $0x8080;
	s23 =	simm.s32 $0xA080  }
0x42: {  	vm0 =	vmmov $0xffff;
	v0 =	vand.u32 $0x7, v0;
	v1 =	vmul.u32 $0x8, v1;
	s24 =	simm.s32 $0xC080;
	s25 =	simm.s32 $0xE080;
	s26 =	simm.s32 $0x10080  }
.LBB2_1:
0x43: {  	s14 =	rddreg [dreg:$0x4];
	s15 =	simm.s32 $0x1F  }
0x44: {  	[tilespmem:s3], [sflag:$0x1F] =	stream.linear.gather [hbm4b:s14+s3], $0x80, $0x38;
	[tilespmem:$0x1E080] =	vst v63  }
0x45: {  	_ =	swait.ge [sflag:s15], $0x80  }
0x46: {  	[sflag:s15] =	ssyncset.done $0x0  }
0x47: {  	[sflag:s15] =	ssyncadd.s32 $0xFFFFFF80  }
0x48: {  	v2 =	vld.msk [tilespmem:$0x0], $0xff;
	_ =	sdelay $0x4  }
0x49: {  	v3 =	vshll.u32 v2, $0x3  }
0x4a: {  	v2 =	vand.u32 $0x7, v2;
	v3 =	vand.u32 $0xFFFFFFC0, v3  }
0x4b: {  	v2 =	vor.u32 v2, v3  }
0x4c: {  	v2 =	vperm.xlane v2, v0;
	_ =	sdelay $0x1  }
0x4d: {  	v2 =	vadd.s32 v1, v2;
	_ =	sdelay $0x4  }
0x4e: {  	[tilespmem:s10], [sflag:$0x1] =	stream.indirect_vreg.gather [hbm4b:s1+s3], $0x80, v2, vm0, $0xb8;
	[tilespmem:$0x1E080] =	vst v63  }
0x4f: {  	_ = 	snop  }
0x50: {  	[tilespmem:s16], [sflag:$0x1] =	stream.indirect_vreg.gather [hbm4b:s5+s3], $0x80, v2, vm0, $0xb8;
	[tilespmem:$0x1E080] =	vst v63  }
0x51: {  	_ = 	snop  }
0x52: {  	[tilespmem:s17], [sflag:$0x1] =	stream.indirect_vreg.gather [hbm4b:s6+s3], $0x80, v2, vm0, $0xb8;
	[tilespmem:$0x1E080] =	vst v63  }
0x53: {  	_ = 	snop  }
0x54: {  	[tilespmem:s18], [sflag:$0x1] =	stream.indirect_vreg.gather [hbm4b:s7+s3], $0x80, v2, vm0, $0xb8;
	[tilespmem:$0x1E080] =	vst v63  }
0x55: {  	v2 =	vld.msk [tilespmem:$0x8], $0xff;
	_ =	sdelay $0x4  }
0x56: {  	v3 =	vshll.u32 v2, $0x3  }
0x57: {  	v2 =	vand.u32 $0x7, v2;
	v3 =	vand.u32 $0xFFFFFFC0, v3  }
0x58: {  	v2 =	vor.u32 v2, v3  }
0x59: {  	v2 =	vperm.xlane v2, v0;
	_ =	sdelay $0x1  }
0x5a: {  	v2 =	vadd.s32 v1, v2;
	_ =	sdelay $0x4  }
0x5b: {  	[tilespmem:s19], [sflag:$0x2] =	stream.indirect_vreg.gather [hbm4b:s1+s3], $0x80, v2, vm0, $0xb8;
	[tilespmem:$0x1E080] =	vst v63  }
0x5c: {  	s0 =	rddreg [dreg:$0x14]  }
0x5d: {  	[tilespmem:s0], [sflag:$0x2] =	stream.indirect_vreg.gather [hbm4b:s5+s3], $0x80, v2, vm0, $0xb8;
	[tilespmem:$0x1E080] =	vst v63  }
0x5e: {  	s15 =	rddreg [dreg:$0x15]  }
0x5f: {  	[tilespmem:s15], [sflag:$0x2] =	stream.indirect_vreg.gather [hbm4b:s6+s3], $0x80, v2, vm0, $0xb8;
	[tilespmem:$0x1E080] =	vst v63  }
0x60: {  	s4 =	rddreg [dreg:$0x16]  }
0x61: {  	[tilespmem:s4], [sflag:$0x2] =	stream.indirect_vreg.gather [hbm4b:s7+s3], $0x80, v2, vm0, $0xb8;
	[tilespmem:$0x1E080] =	vst v63  }
0x62: {  	v2 =	vld.msk [tilespmem:$0x10], $0xff;
	_ =	sdelay $0x4  }
0x63: {  	v3 =	vshll.u32 v2, $0x3  }
0x64: {  	v2 =	vand.u32 $0x7, v2;
	v3 =	vand.u32 $0xFFFFFFC0, v3  }
0x65: {  	v2 =	vor.u32 v2, v3  }
0x66: {  	v2 =	vperm.xlane v2, v0;
	_ =	sdelay $0x1  }
0x67: {  	v2 =	vadd.s32 v1, v2;
	_ =	sdelay $0x4  }
0x68: {  	[tilespmem:s20], [sflag:$0x3] =	stream.indirect_vreg.gather [hbm4b:s1+s3], $0x80, v2, vm0, $0xb8;
	[tilespmem:$0x1E080] =	vst v63  }
0x69: {  	s15 =	rddreg [dreg:$0x17]  }
0x6a: {  	[tilespmem:s15], [sflag:$0x3] =	stream.indirect_vreg.gather [hbm4b:s5+s3], $0x80, v2, vm0, $0xb8;
	[tilespmem:$0x1E080] =	vst v63  }
0x6b: {  	s0 =	rddreg [dreg:$0x18]  }
0x6c: {  	[tilespmem:s0], [sflag:$0x3] =	stream.indirect_vreg.gather [hbm4b:s6+s3], $0x80, v2, vm0, $0xb8;
	[tilespmem:$0x1E080] =	vst v63  }
0x6d: {  	s4 =	rddreg [dreg:$0x19]  }
0x6e: {  	[tilespmem:s4], [sflag:$0x3] =	stream.indirect_vreg.gather [hbm4b:s7+s3], $0x80, v2, vm0, $0xb8;
	[tilespmem:$0x1E080] =	vst v63  }
0x6f: {  	v2 =	vld.msk [tilespmem:$0x18], $0xff;
	_ =	sdelay $0x4  }
0x70: {  	v3 =	vshll.u32 v2, $0x3  }
0x71: {  	v2 =	vand.u32 $0x7, v2;
	v3 =	vand.u32 $0xFFFFFFC0, v3  }
0x72: {  	v2 =	vor.u32 v2, v3  }
0x73: {  	v2 =	vperm.xlane v2, v0;
	_ =	sdelay $0x1  }
0x74: {  	v2 =	vadd.s32 v1, v2;
	_ =	sdelay $0x4  }
0x75: {  	[tilespmem:s21], [sflag:$0x4] =	stream.indirect_vreg.gather [hbm4b:s1+s3], $0x80, v2, vm0, $0xb8;
	[tilespmem:$0x1E080] =	vst v63  }
0x76: {  	s15 =	rddreg [dreg:$0x1a]  }
0x77: {  	[tilespmem:s15], [sflag:$0x4] =	stream.indirect_vreg.gather [hbm4b:s5+s3], $0x80, v2, vm0, $0xb8;
	[tilespmem:$0x1E080] =	vst v63  }
0x78: {  	s0 =	rddreg [dreg:$0x1b]  }
0x79: {  	[tilespmem:s0], [sflag:$0x4] =	stream.indirect_vreg.gather [hbm4b:s6+s3], $0x80, v2, vm0, $0xb8;
	[tilespmem:$0x1E080] =	vst v63  }
0x7a: {  	s4 =	rddreg [dreg:$0x1c]  }
0x7b: {  	[tilespmem:s4], [sflag:$0x4] =	stream.indirect_vreg.gather [hbm4b:s7+s3], $0x80, v2, vm0, $0xb8;
	[tilespmem:$0x1E080] =	vst v63  }
0x7c: {  	v2 =	vld.msk [tilespmem:$0x20], $0xff;
	_ =	sdelay $0x4  }
0x7d: {  	v3 =	vshll.u32 v2, $0x3  }
0x7e: {  	v2 =	vand.u32 $0x7, v2;
	v3 =	vand.u32 $0xFFFFFFC0, v3  }
0x7f: {  	v2 =	vor.u32 v2, v3  }
0x80: {  	v2 =	vperm.xlane v2, v0;
	_ =	sdelay $0x1  }
0x81: {  	v2 =	vadd.s32 v1, v2;
	_ =	sdelay $0x4  }
0x82: {  	[tilespmem:s22], [sflag:$0x5] =	stream.indirect_vreg.gather [hbm4b:s1+s3], $0x80, v2, vm0, $0xb8;
	[tilespmem:$0x1E080] =	vst v63  }
0x83: {  	s15 =	rddreg [dreg:$0x1d]  }
0x84: {  	[tilespmem:s15], [sflag:$0x5] =	stream.indirect_vreg.gather [hbm4b:s5+s3], $0x80, v2, vm0, $0xb8;
	[tilespmem:$0x1E080] =	vst v63  }
0x85: {  	s0 =	rddreg [dreg:$0x1e]  }
0x86: {  	[tilespmem:s0], [sflag:$0x5] =	stream.indirect_vreg.gather [hbm4b:s6+s3], $0x80, v2, vm0, $0xb8;
	[tilespmem:$0x1E080] =	vst v63  }
0x87: {  	s4 =	rddreg [dreg:$0x1f]  }
0x88: {  	[tilespmem:s4], [sflag:$0x5] =	stream.indirect_vreg.gather [hbm4b:s7+s3], $0x80, v2, vm0, $0xb8;
	[tilespmem:$0x1E080] =	vst v63  }
0x89: {  	v2 =	vld.msk [tilespmem:$0x28], $0xff;
	_ =	sdelay $0x4  }
0x8a: {  	v3 =	vshll.u32 v2, $0x3  }
0x8b: {  	v2 =	vand.u32 $0x7, v2;
	v3 =	vand.u32 $0xFFFFFFC0, v3  }
0x8c: {  	v2 =	vor.u32 v2, v3  }
0x8d: {  	v2 =	vperm.xlane v2, v0;
	_ =	sdelay $0x1  }
0x8e: {  	v2 =	vadd.s32 v1, v2;
	_ =	sdelay $0x3  }
0x8f: {  	s15 =	sld [smem:$0x7E0]  }
0x90: {  	[tilespmem:s23], [sflag:$0x6] =	stream.indirect_vreg.gather [hbm4b:s1+s3], $0x80, v2, vm0, $0xb8;
	[tilespmem:$0x1E080] =	vst v63  }
0x91: {  	s0 =	sld [smem:$0x7E1]  }
0x92: {  	[tilespmem:s15], [sflag:$0x6] =	stream.indirect_vreg.gather [hbm4b:s5+s3], $0x80, v2, vm0, $0xb8;
	[tilespmem:$0x1E080] =	vst v63  }
0x93: {  	s4 =	sld [smem:$0x7E2]  }
0x94: {  	[tilespmem:s0], [sflag:$0x6] =	stream.indirect_vreg.gather [hbm4b:s6+s3], $0x80, v2, vm0, $0xb8;
	[tilespmem:$0x1E080] =	vst v63  }
0x95: {  	_ = 	snop  }
0x96: {  	[tilespmem:s4], [sflag:$0x6] =	stream.indirect_vreg.gather [hbm4b:s7+s3], $0x80, v2, vm0, $0xb8;
	[tilespmem:$0x1E080] =	vst v63  }
0x97: {  	v2 =	vld.msk [tilespmem:$0x30], $0xff;
	_ =	sdelay $0x4  }
0x98: {  	v3 =	vshll.u32 v2, $0x3  }
0x99: {  	v2 =	vand.u32 $0x7, v2;
	v3 =	vand.u32 $0xFFFFFFC0, v3  }
0x9a: {  	v2 =	vor.u32 v2, v3  }
0x9b: {  	v2 =	vperm.xlane v2, v0;
	_ =	sdelay $0x1  }
0x9c: {  	v2 =	vadd.s32 v1, v2;
	_ =	sdelay $0x3  }
0x9d: {  	s15 =	sld [smem:$0x7E3]  }
0x9e: {  	[tilespmem:s24], [sflag:$0x7] =	stream.indirect_vreg.gather [hbm4b:s1+s3], $0x80, v2, vm0, $0xb8;
	[tilespmem:$0x1E080] =	vst v63  }
0x9f: {  	s0 =	sld [smem:$0x7E4]  }
0xa0: {  	[tilespmem:s15], [sflag:$0x7] =	stream.indirect_vreg.gather [hbm4b:s5+s3], $0x80, v2, vm0, $0xb8;
	[tilespmem:$0x1E080] =	vst v63  }
0xa1: {  	s4 =	sld [smem:$0x7E5]  }
0xa2: {  	[tilespmem:s0], [sflag:$0x7] =	stream.indirect_vreg.gather [hbm4b:s6+s3], $0x80, v2, vm0, $0xb8;
	[tilespmem:$0x1E080] =	vst v63  }
0xa3: {  	_ = 	snop  }
0xa4: {  	[tilespmem:s4], [sflag:$0x7] =	stream.indirect_vreg.gather [hbm4b:s7+s3], $0x80, v2, vm0, $0xb8;
	[tilespmem:$0x1E080] =	vst v63  }
0xa5: {  	v2 =	vld.msk [tilespmem:$0x38], $0xff;
	_ =	sdelay $0x4  }
0xa6: {  	v3 =	vshll.u32 v2, $0x3  }
0xa7: {  	v2 =	vand.u32 $0x7, v2;
	v3 =	vand.u32 $0xFFFFFFC0, v3  }
0xa8: {  	v2 =	vor.u32 v2, v3  }
0xa9: {  	v2 =	vperm.xlane v2, v0;
	_ =	sdelay $0x1  }
0xaa: {  	v2 =	vadd.s32 v1, v2;
	_ =	sdelay $0x3  }
0xab: {  	s15 =	sld [smem:$0x7E6]  }
0xac: {  	[tilespmem:s25], [sflag:$0x8] =	stream.indirect_vreg.gather [hbm4b:s1+s3], $0x80, v2, vm0, $0xb8;
	[tilespmem:$0x1E080] =	vst v63  }
0xad: {  	s0 =	sld [smem:$0x7E7]  }
0xae: {  	[tilespmem:s15], [sflag:$0x8] =	stream.indirect_vreg.gather [hbm4b:s5+s3], $0x80, v2, vm0, $0xb8;
	[tilespmem:$0x1E080] =	vst v63  }
0xaf: {  	s4 =	sld [smem:$0x7E8]  }
0xb0: {  	[tilespmem:s0], [sflag:$0x8] =	stream.indirect_vreg.gather [hbm4b:s6+s3], $0x80, v2, vm0, $0xb8;
	[tilespmem:$0x1E080] =	vst v63  }
0xb1: {  	_ = 	snop  }
0xb2: {  	[tilespmem:s4], [sflag:$0x8] =	stream.indirect_vreg.gather [hbm4b:s7+s3], $0x80, v2, vm0, $0xb8;
	[tilespmem:$0x1E080] =	vst v63  }
0xb3: {  	v2 =	vld.msk [tilespmem:$0x40], $0xff;
	_ =	sdelay $0x4  }
0xb4: {  	v3 =	vshll.u32 v2, $0x3  }
0xb5: {  	v2 =	vand.u32 $0x7, v2;
	v3 =	vand.u32 $0xFFFFFFC0, v3  }
0xb6: {  	v2 =	vor.u32 v2, v3  }
0xb7: {  	v2 =	vperm.xlane v2, v0;
	_ =	sdelay $0x1  }
0xb8: {  	v2 =	vadd.s32 v1, v2;
	_ =	sdelay $0x3  }
0xb9: {  	s15 =	sld [smem:$0x7E9]  }
0xba: {  	[tilespmem:s26], [sflag:$0x9] =	stream.indirect_vreg.gather [hbm4b:s1+s3], $0x80, v2, vm0, $0xb8;
	[tilespmem:$0x1E080] =	vst v63  }
0xbb: {  	s0 =	sld [smem:$0x7EA]  }
0xbc: {  	[tilespmem:s15], [sflag:$0x9] =	stream.indirect_vreg.gather [hbm4b:s5+s3], $0x80, v2, vm0, $0xb8;
	[tilespmem:$0x1E080] =	vst v63  }
0xbd: {  	s4 =	sld [smem:$0x7EB]  }
0xbe: {  	[tilespmem:s0], [sflag:$0x9] =	stream.indirect_vreg.gather [hbm4b:s6+s3], $0x80, v2, vm0, $0xb8;
	[tilespmem:$0x1E080] =	vst v63  }
0xbf: {  	_ = 	snop  }
0xc0: {  	[tilespmem:s4], [sflag:$0x9] =	stream.indirect_vreg.gather [hbm4b:s7+s3], $0x80, v2, vm0, $0xb8;
	[tilespmem:$0x1E080] =	vst v63  }
0xc1: {  	v2 =	vld.msk [tilespmem:$0x48], $0xff;
	_ =	sdelay $0x4  }
0xc2: {  	v3 =	vshll.u32 v2, $0x3  }
0xc3: {  	v2 =	vand.u32 $0x7, v2;
	v3 =	vand.u32 $0xFFFFFFC0, v3  }
0xc4: {  	v2 =	vor.u32 v2, v3  }
0xc5: {  	v2 =	vperm.xlane v2, v0;
	_ =	sdelay $0x1  }
0xc6: {  	v2 =	vadd.s32 v1, v2;
	_ =	sdelay $0x3  }
0xc7: {  	s15 =	sld [smem:$0x7EC]  }
0xc8: {  	[tilespmem:s28], [sflag:$0xA] =	stream.indirect_vreg.gather [hbm4b:s1+s3], $0x80, v2, vm0, $0xb8;
	[tilespmem:$0x1E080] =	vst v63  }
0xc9: {  	s0 =	sld [smem:$0x7ED]  }
0xca: {  	[tilespmem:s15], [sflag:$0xA] =	stream.indirect_vreg.gather [hbm4b:s5+s3], $0x80, v2, vm0, $0xb8;
	[tilespmem:$0x1E080] =	vst v63  }
0xcb: {  	s4 =	sld [smem:$0x7EE]  }
0xcc: {  	[tilespmem:s0], [sflag:$0xA] =	stream.indirect_vreg.gather [hbm4b:s6+s3], $0x80, v2, vm0, $0xb8;
	[tilespmem:$0x1E080] =	vst v63  }
0xcd: {  	_ = 	snop  }
0xce: {  	[tilespmem:s4], [sflag:$0xA] =	stream.indirect_vreg.gather [hbm4b:s7+s3], $0x80, v2, vm0, $0xb8;
	[tilespmem:$0x1E080] =	vst v63  }
0xcf: {  	v2 =	vld.msk [tilespmem:$0x50], $0xff;
	_ =	sdelay $0x4  }
0xd0: {  	v3 =	vshll.u32 v2, $0x3  }
0xd1: {  	v2 =	vand.u32 $0x7, v2;
	v3 =	vand.u32 $0xFFFFFFC0, v3  }
0xd2: {  	v2 =	vor.u32 v2, v3  }
0xd3: {  	v2 =	vperm.xlane v2, v0;
	_ =	sdelay $0x1  }
0xd4: {  	v2 =	vadd.s32 v1, v2;
	_ =	sdelay $0x3  }
0xd5: {  	s0 =	sld [smem:$0x7EF];
	s4 =	simm.s32 $0x14080  }
0xd6: {  	[tilespmem:s4], [sflag:$0xB] =	stream.indirect_vreg.gather [hbm4b:s1+s3], $0x80, v2, vm0, $0xb8;
	[tilespmem:$0x1E080] =	vst v63  }
0xd7: {  	s15 =	sld [smem:$0x7F0]  }
0xd8: {  	[tilespmem:s0], [sflag:$0xB] =	stream.indirect_vreg.gather [hbm4b:s5+s3], $0x80, v2, vm0, $0xb8;
	[tilespmem:$0x1E080] =	vst v63  }
0xd9: {  	s0 =	sld [smem:$0x7F1]  }
0xda: {  	[tilespmem:s15], [sflag:$0xB] =	stream.indirect_vreg.gather [hbm4b:s6+s3], $0x80, v2, vm0, $0xb8;
	[tilespmem:$0x1E080] =	vst v63  }
0xdb: {  	_ = 	snop  }
0xdc: {  	[tilespmem:s0], [sflag:$0xB] =	stream.indirect_vreg.gather [hbm4b:s7+s3], $0x80, v2, vm0, $0xb8;
	[tilespmem:$0x1E080] =	vst v63  }
0xdd: {  	v2 =	vld.msk [tilespmem:$0x58], $0xff;
	_ =	sdelay $0x4  }
0xde: {  	v3 =	vshll.u32 v2, $0x3  }
0xdf: {  	v2 =	vand.u32 $0x7, v2;
	v3 =	vand.u32 $0xFFFFFFC0, v3  }
0xe0: {  	v2 =	vor.u32 v2, v3  }
0xe1: {  	v2 =	vperm.xlane v2, v0;
	_ =	sdelay $0x1  }
0xe2: {  	v2 =	vadd.s32 v1, v2;
	_ =	sdelay $0x3  }
0xe3: {  	s0 =	sld [smem:$0x7F2]  }
0xe4: {  	[tilespmem:s9], [sflag:$0xC] =	stream.indirect_vreg.gather [hbm4b:s1+s3], $0x80, v2, vm0, $0xb8;
	[tilespmem:$0x1E080] =	vst v63  }
0xe5: {  	s15 =	sld [smem:$0x7F3]  }
0xe6: {  	[tilespmem:s0], [sflag:$0xC] =	stream.indirect_vreg.gather [hbm4b:s5+s3], $0x80, v2, vm0, $0xb8;
	[tilespmem:$0x1E080] =	vst v63  }
0xe7: {  	s0 =	sld [smem:$0x7F4]  }
0xe8: {  	[tilespmem:s15], [sflag:$0xC] =	stream.indirect_vreg.gather [hbm4b:s6+s3], $0x80, v2, vm0, $0xb8;
	[tilespmem:$0x1E080] =	vst v63  }
0xe9: {  	_ = 	snop  }
0xea: {  	[tilespmem:s0], [sflag:$0xC] =	stream.indirect_vreg.gather [hbm4b:s7+s3], $0x80, v2, vm0, $0xb8;
	[tilespmem:$0x1E080] =	vst v63  }
0xeb: {  	v2 =	vld.msk [tilespmem:$0x60], $0xff;
	_ =	sdelay $0x4  }
0xec: {  	v3 =	vshll.u32 v2, $0x3  }
0xed: {  	v2 =	vand.u32 $0x7, v2;
	v3 =	vand.u32 $0xFFFFFFC0, v3  }
0xee: {  	v2 =	vor.u32 v2, v3  }
0xef: {  	v2 =	vperm.xlane v2, v0;
	_ =	sdelay $0x1  }
0xf0: {  	v2 =	vadd.s32 v1, v2;
	_ =	sdelay $0x3  }
0xf1: {  	s0 =	sld [smem:$0x7F5]  }
0xf2: {  	[tilespmem:s30], [sflag:$0xD] =	stream.indirect_vreg.gather [hbm4b:s1+s3], $0x80, v2, vm0, $0xb8;
	[tilespmem:$0x1E080] =	vst v63  }
0xf3: {  	s15 =	sld [smem:$0x7F6]  }
0xf4: {  	[tilespmem:s0], [sflag:$0xD] =	stream.indirect_vreg.gather [hbm4b:s5+s3], $0x80, v2, vm0, $0xb8;
	[tilespmem:$0x1E080] =	vst v63  }
0xf5: {  	s0 =	sld [smem:$0x7F7]  }
0xf6: {  	[tilespmem:s15], [sflag:$0xD] =	stream.indirect_vreg.gather [hbm4b:s6+s3], $0x80, v2, vm0, $0xb8;
	[tilespmem:$0x1E080] =	vst v63  }
0xf7: {  	_ = 	snop  }
0xf8: {  	[tilespmem:s0], [sflag:$0xD] =	stream.indirect_vreg.gather [hbm4b:s7+s3], $0x80, v2, vm0, $0xb8;
	[tilespmem:$0x1E080] =	vst v63  }
0xf9: {  	v2 =	vld.msk [tilespmem:$0x68], $0xff;
	_ =	sdelay $0x4  }
0xfa: {  	v3 =	vshll.u32 v2, $0x3  }
0xfb: {  	v2 =	vand.u32 $0x7, v2;
	v3 =	vand.u32 $0xFFFFFFC0, v3  }
0xfc: {  	v2 =	vor.u32 v2, v3  }
0xfd: {  	v2 =	vperm.xlane v2, v0;
	_ =	sdelay $0x1  }
0xfe: {  	v2 =	vadd.s32 v1, v2;
	_ =	sdelay $0x3  }
0xff: {  	s0 =	sld [smem:$0x7F8]  }
0x100: {  	[tilespmem:s31], [sflag:$0xE] =	stream.indirect_vreg.gather [hbm4b:s1+s3], $0x80, v2, vm0, $0xb8;
	[tilespmem:$0x1E080] =	vst v63  }
0x101: {  	s15 =	sld [smem:$0x7F9]  }
0x102: {  	[tilespmem:s0], [sflag:$0xE] =	stream.indirect_vreg.gather [hbm4b:s5+s3], $0x80, v2, vm0, $0xb8;
	[tilespmem:$0x1E080] =	vst v63  }
0x103: {  	s0 =	sld [smem:$0x7FA]  }
0x104: {  	[tilespmem:s15], [sflag:$0xE] =	stream.indirect_vreg.gather [hbm4b:s6+s3], $0x80, v2, vm0, $0xb8;
	[tilespmem:$0x1E080] =	vst v63  }
0x105: {  	_ = 	snop  }
0x106: {  	[tilespmem:s0], [sflag:$0xE] =	stream.indirect_vreg.gather [hbm4b:s7+s3], $0x80, v2, vm0, $0xb8;
	[tilespmem:$0x1E080] =	vst v63  }
0x107: {  	v2 =	vld.msk [tilespmem:$0x70], $0xff;
	_ =	sdelay $0x4  }
0x108: {  	v3 =	vshll.u32 v2, $0x3  }
0x109: {  	v2 =	vand.u32 $0x7, v2;
	v3 =	vand.u32 $0xFFFFFFC0, v3  }
0x10a: {  	v2 =	vor.u32 v2, v3  }
0x10b: {  	v2 =	vperm.xlane v2, v0;
	_ =	sdelay $0x1  }
0x10c: {  	v2 =	vadd.s32 v1, v2;
	_ =	sdelay $0x3  }
0x10d: {  	s14 =	sld [smem:$0x7FB];
	s0 =	simm.s32 $0x1C080  }
0x10e: {  	[tilespmem:s0], [sflag:$0xF] =	stream.indirect_vreg.gather [hbm4b:s1+s3], $0x80, v2, vm0, $0xb8;
	[tilespmem:$0x1E080] =	vst v63  }
0x10f: {  	s15 =	sld [smem:$0x7FC]  }
0x110: {  	[tilespmem:s14], [sflag:$0xF] =	stream.indirect_vreg.gather [hbm4b:s5+s3], $0x80, v2, vm0, $0xb8;
	[tilespmem:$0x1E080] =	vst v63  }
0x111: {  	s14 =	sld [smem:$0x7FD]  }
0x112: {  	[tilespmem:s15], [sflag:$0xF] =	stream.indirect_vreg.gather [hbm4b:s6+s3], $0x80, v2, vm0, $0xb8;
	[tilespmem:$0x1E080] =	vst v63  }
0x113: {  	_ = 	snop  }
0x114: {  	[tilespmem:s14], [sflag:$0xF] =	stream.indirect_vreg.gather [hbm4b:s7+s3], $0x80, v2, vm0, $0xb8;
	[tilespmem:$0x1E080] =	vst v63  }
0x115: {  	_ =	swait.ge [sflag:s29], $0x2000  }
0x116: {  	s15 =	sld [smem:$0x7DF]  }
0x117: {  	[sflag:s29] =	ssyncset.done $0x0  }
0x118: {  	[sflag:s29] =	ssyncadd.s32 $0xFFFFE000  }
0x119: {  	[hbm4b:s15+s3] =	stream.linear.scatter [tilespmem:s10], [sflag:$0x10], $0x2000, $0x38;
	[tilespmem:$0x1E080] =	vst v63  }
0x11a: {  	s15 =	simm.s32 $0x2  }
0x11b: {  	_ =	swait.ge [sflag:s15], $0x2000  }
0x11c: {  	[sflag:s15] =	ssyncset.done $0x0  }
0x11d: {  	s14 =	rddreg [dreg:$0x5];
	[sflag:s15] =	ssyncadd.s32 $0xFFFFE000;
	s15 =	simm.s32 $0x3  }
0x11e: {  	[hbm4b:s14+s3] =	stream.linear.scatter [tilespmem:s19], [sflag:$0x11], $0x2000, $0x38;
	[tilespmem:$0x1E080] =	vst v63  }
0x11f: {  	_ =	swait.ge [sflag:s15], $0x2000  }
0x120: {  	[sflag:s15] =	ssyncset.done $0x0  }
0x121: {  	s14 =	rddreg [dreg:$0x6];
	[sflag:s15] =	ssyncadd.s32 $0xFFFFE000  }
0x122: {  	[hbm4b:s14+s3] =	stream.linear.scatter [tilespmem:s20], [sflag:$0x12], $0x2000, $0x38;
	[tilespmem:$0x1E080] =	vst v63  }
0x123: {  	_ =	swait.ge [sflag:s2], $0x2000  }
0x124: {  	[sflag:s2] =	ssyncset.done $0x0  }
0x125: {  	[sflag:s2] =	ssyncadd.s32 $0xFFFFE000  }
0x126: {  	v2 =	vld.msk [tilespmem:$0x78], $0xff;
	_ =	sdelay $0x4  }
0x127: {  	v3 =	vshll.u32 v2, $0x3  }
0x128: {  	v2 =	vand.u32 $0x7, v2;
	v3 =	vand.u32 $0xFFFFFFC0, v3  }
0x129: {  	v2 =	vor.u32 v2, v3  }
0x12a: {  	v2 =	vperm.xlane v2, v0;
	_ =	sdelay $0x1  }
0x12b: {  	v2 =	vadd.s32 v1, v2;
	_ =	sdelay $0x4  }
0x12c: {  	[tilespmem:s10], [sflag:$0x1] =	stream.indirect_vreg.gather [hbm4b:s1+s3], $0x80, v2, vm0, $0xb8;
	[tilespmem:$0x1E080] =	vst v63  }
0x12d: {  	_ = 	snop  }
0x12e: {  	[tilespmem:s16], [sflag:$0x1] =	stream.indirect_vreg.gather [hbm4b:s5+s3], $0x80, v2, vm0, $0xb8;
	[tilespmem:$0x1E080] =	vst v63  }
0x12f: {  	_ = 	snop  }
0x130: {  	[tilespmem:s17], [sflag:$0x1] =	stream.indirect_vreg.gather [hbm4b:s6+s3], $0x80, v2, vm0, $0xb8;
	[tilespmem:$0x1E080] =	vst v63  }
0x131: {  	s15 =	simm.s32 $0x4  }
0x132: {  	[tilespmem:s18], [sflag:$0x1] =	stream.indirect_vreg.gather [hbm4b:s7+s3], $0x80, v2, vm0, $0xb8;
	[tilespmem:$0x1E080] =	vst v63  }
0x133: {  	_ =	swait.ge [sflag:s15], $0x2000  }
0x134: {  	[sflag:s15] =	ssyncset.done $0x0  }
0x135: {  	s14 =	rddreg [dreg:$0x7];
	[sflag:s15] =	ssyncadd.s32 $0xFFFFE000;
	s15 =	simm.s32 $0x5  }
0x136: {  	[hbm4b:s14+s3] =	stream.linear.scatter [tilespmem:s21], [sflag:$0x13], $0x2000, $0x38;
	[tilespmem:$0x1E080] =	vst v63  }
0x137: {  	_ =	swait.ge [sflag:s15], $0x2000  }
0x138: {  	[sflag:s15] =	ssyncset.done $0x0  }
0x139: {  	s14 =	rddreg [dreg:$0x8];
	[sflag:s15] =	ssyncadd.s32 $0xFFFFE000;
	s15 =	simm.s32 $0x6  }
0x13a: {  	[hbm4b:s14+s3] =	stream.linear.scatter [tilespmem:s22], [sflag:$0x14], $0x2000, $0x38;
	[tilespmem:$0x1E080] =	vst v63  }
0x13b: {  	_ =	swait.ge [sflag:s15], $0x2000  }
0x13c: {  	[sflag:s15] =	ssyncset.done $0x0  }
0x13d: {  	s14 =	rddreg [dreg:$0x9];
	[sflag:s15] =	ssyncadd.s32 $0xFFFFE000;
	s15 =	simm.s32 $0x7  }
0x13e: {  	[hbm4b:s14+s3] =	stream.linear.scatter [tilespmem:s23], [sflag:$0x15], $0x2000, $0x38;
	[tilespmem:$0x1E080] =	vst v63  }
0x13f: {  	_ =	swait.ge [sflag:s15], $0x2000  }
0x140: {  	[sflag:s15] =	ssyncset.done $0x0  }
0x141: {  	s14 =	rddreg [dreg:$0xa];
	[sflag:s15] =	ssyncadd.s32 $0xFFFFE000;
	s15 =	simm.s32 $0x8  }
0x142: {  	[hbm4b:s14+s3] =	stream.linear.scatter [tilespmem:s24], [sflag:$0x16], $0x2000, $0x38;
	[tilespmem:$0x1E080] =	vst v63  }
0x143: {  	_ =	swait.ge [sflag:s15], $0x2000  }
0x144: {  	[sflag:s15] =	ssyncset.done $0x0  }
0x145: {  	s14 =	rddreg [dreg:$0xb];
	[sflag:s15] =	ssyncadd.s32 $0xFFFFE000;
	s15 =	simm.s32 $0x9  }
0x146: {  	[hbm4b:s14+s3] =	stream.linear.scatter [tilespmem:s25], [sflag:$0x17], $0x2000, $0x38;
	[tilespmem:$0x1E080] =	vst v63  }
0x147: {  	_ =	swait.ge [sflag:s15], $0x2000  }
0x148: {  	[sflag:s15] =	ssyncset.done $0x0  }
0x149: {  	s14 =	rddreg [dreg:$0xc];
	[sflag:s15] =	ssyncadd.s32 $0xFFFFE000;
	s15 =	simm.s32 $0xA  }
0x14a: {  	[hbm4b:s14+s3] =	stream.linear.scatter [tilespmem:s26], [sflag:$0x18], $0x2000, $0x38;
	[tilespmem:$0x1E080] =	vst v63  }
0x14b: {  	_ =	swait.ge [sflag:s15], $0x2000  }
0x14c: {  	[sflag:s15] =	ssyncset.done $0x0  }
0x14d: {  	s14 =	rddreg [dreg:$0xd];
	[sflag:s15] =	ssyncadd.s32 $0xFFFFE000;
	s15 =	simm.s32 $0xB  }
0x14e: {  	[hbm4b:s14+s3] =	stream.linear.scatter [tilespmem:s28], [sflag:$0x19], $0x2000, $0x38;
	[tilespmem:$0x1E080] =	vst v63  }
0x14f: {  	_ =	swait.ge [sflag:s15], $0x2000  }
0x150: {  	[sflag:s15] =	ssyncset.done $0x0  }
0x151: {  	s14 =	rddreg [dreg:$0xe];
	[sflag:s15] =	ssyncadd.s32 $0xFFFFE000  }
0x152: {  	[hbm4b:s14+s3] =	stream.linear.scatter [tilespmem:s4], [sflag:$0x1A], $0x2000, $0x38;
	[tilespmem:$0x1E080] =	vst v63  }
0x153: {  	s14 =	simm.s32 $0xC  }
0x154: {  	_ =	swait.ge [sflag:s14], $0x2000  }
0x155: {  	[sflag:s14] =	ssyncset.done $0x0  }
0x156: {  	s15 =	rddreg [dreg:$0xf];
	[sflag:s14] =	ssyncadd.s32 $0xFFFFE000;
	s14 =	simm.s32 $0xD  }
0x157: {  	[hbm4b:s15+s3] =	stream.linear.scatter [tilespmem:s9], [sflag:$0x1B], $0x2000, $0x38;
	[tilespmem:$0x1E080] =	vst v63  }
0x158: {  	_ =	swait.ge [sflag:s14], $0x2000  }
0x159: {  	[sflag:s14] =	ssyncset.done $0x0  }
0x15a: {  	s15 =	rddreg [dreg:$0x10];
	[sflag:s14] =	ssyncadd.s32 $0xFFFFE000;
	s14 =	simm.s32 $0xE  }
0x15b: {  	[hbm4b:s15+s3] =	stream.linear.scatter [tilespmem:s30], [sflag:$0x1C], $0x2000, $0x38;
	[tilespmem:$0x1E080] =	vst v63  }
0x15c: {  	_ =	swait.ge [sflag:s14], $0x2000  }
0x15d: {  	[sflag:s14] =	ssyncset.done $0x0  }
0x15e: {  	s15 =	rddreg [dreg:$0x11];
	[sflag:s14] =	ssyncadd.s32 $0xFFFFE000;
	s14 =	simm.s32 $0xF  }
0x15f: {  	[hbm4b:s15+s3] =	stream.linear.scatter [tilespmem:s31], [sflag:$0x1D], $0x2000, $0x38;
	[tilespmem:$0x1E080] =	vst v63  }
0x160: {  	_ =	swait.ge [sflag:s14], $0x2000  }
0x161: {  	[sflag:s14] =	ssyncset.done $0x0  }
0x162: {  	s15 =	rddreg [dreg:$0x12];
	[sflag:s14] =	ssyncadd.s32 $0xFFFFE000  }
0x163: {  	[hbm4b:s15+s3] =	stream.linear.scatter [tilespmem:s0], [sflag:$0x1E], $0x2000, $0x38;
	[tilespmem:$0x1E080] =	vst v63  }
0x164: {  	_ =	swait.ge [sflag:s29], $0x2000  }
0x165: {  	[sflag:s29] =	ssyncset.done $0x0  }
0x166: {  	s14 =	simm.s32 $0x11;
	s4 =	rddreg [dreg:$0x13];
	[sflag:s29] =	ssyncadd.s32 $0xFFFFE000  }
0x167: {  	[hbm4b:s4+s3] =	stream.linear.scatter [tilespmem:s10], [sflag:$0x10], $0x2000, $0x38;
	[tilespmem:$0x1E080] =	vst v63  }
0x168: {  	_ =	swait.ge [sflag:s14], $0x2000  }
0x169: {  	[sflag:s14] =	ssyncset.done $0x0  }
0x16a: {  	s15 =	simm.s32 $0x12;
	[sflag:s14] =	ssyncadd.s32 $0xFFFFE000  }
0x16b: {  	_ =	swait.ge [sflag:s15], $0x2000  }
0x16c: {  	[sflag:s15] =	ssyncset.done $0x0  }
0x16d: {  	s4 =	simm.s32 $0x13;
	[sflag:s15] =	ssyncadd.s32 $0xFFFFE000  }
0x16e: {  	_ =	swait.ge [sflag:s4], $0x2000  }
0x16f: {  	[sflag:s4] =	ssyncset.done $0x0  }
0x170: {  	s14 =	simm.s32 $0x14;
	[sflag:s4] =	ssyncadd.s32 $0xFFFFE000  }
0x171: {  	_ =	swait.ge [sflag:s14], $0x2000  }
0x172: {  	[sflag:s14] =	ssyncset.done $0x0  }
0x173: {  	s15 =	simm.s32 $0x15;
	[sflag:s14] =	ssyncadd.s32 $0xFFFFE000  }
0x174: {  	_ =	swait.ge [sflag:s15], $0x2000  }
0x175: {  	[sflag:s15] =	ssyncset.done $0x0  }
0x176: {  	s4 =	simm.s32 $0x16;
	[sflag:s15] =	ssyncadd.s32 $0xFFFFE000  }
0x177: {  	_ =	swait.ge [sflag:s4], $0x2000  }
0x178: {  	[sflag:s4] =	ssyncset.done $0x0  }
0x179: {  	s14 =	simm.s32 $0x17;
	[sflag:s4] =	ssyncadd.s32 $0xFFFFE000  }
0x17a: {  	_ =	swait.ge [sflag:s14], $0x2000  }
0x17b: {  	[sflag:s14] =	ssyncset.done $0x0  }
0x17c: {  	s15 =	simm.s32 $0x18;
	[sflag:s14] =	ssyncadd.s32 $0xFFFFE000  }
0x17d: {  	_ =	swait.ge [sflag:s15], $0x2000  }
0x17e: {  	[sflag:s15] =	ssyncset.done $0x0  }
0x17f: {  	s4 =	simm.s32 $0x19;
	[sflag:s15] =	ssyncadd.s32 $0xFFFFE000  }
0x180: {  	_ =	swait.ge [sflag:s4], $0x2000  }
0x181: {  	[sflag:s4] =	ssyncset.done $0x0  }
0x182: {  	s14 =	simm.s32 $0x1A;
	[sflag:s4] =	ssyncadd.s32 $0xFFFFE000  }
0x183: {  	_ =	swait.ge [sflag:s14], $0x2000  }
0x184: {  	[sflag:s14] =	ssyncset.done $0x0  }
0x185: {  	s15 =	simm.s32 $0x1B;
	[sflag:s14] =	ssyncadd.s32 $0xFFFFE000  }
0x186: {  	_ =	swait.ge [sflag:s15], $0x2000  }
0x187: {  	[sflag:s15] =	ssyncset.done $0x0  }
0x188: {  	[sflag:s15] =	ssyncadd.s32 $0xFFFFE000  }
0x189: {  	_ =	swait.ge [sflag:s11], $0x2000  }
0x18a: {  	[sflag:s11] =	ssyncset.done $0x0  }
0x18b: {  	[sflag:s11] =	ssyncadd.s32 $0xFFFFE000  }
0x18c: {  	_ =	swait.ge [sflag:s12], $0x2000  }
0x18d: {  	[sflag:s12] =	ssyncset.done $0x0  }
0x18e: {  	[sflag:s12] =	ssyncadd.s32 $0xFFFFE000  }
0x18f: {  	p0 =	sne.s32 s8, $0x1;
	_ =	swait.ge [sflag:s13], $0x2000  }
.Ltmp0:
0x190: {  	[sflag:s13] =	ssyncset.done $0x0;
	(pc) =	sbr.rel @p0 .LBB2_1-.Ltmp0, $4  }
0x191: {  	[sflag:s13] =	ssyncadd.s32 $0xFFFFE000  }
0x192: {  	_ =	swait.ge [sflag:s2], $0x2000  }
0x193: {  	[sflag:s2] =	ssyncset.done $0x0  }
0x194: {  	s8 =	sadd.s32 $0xFFFFFFFF, s8;
	[sflag:s2] =	ssyncadd.s32 $0xFFFFE000  }
0x195: {  	_ =	sfence.sel $0x180000  }
0x196: {  	[bflag:$0x0] =	sbarrier.arrive $0xFFFF  }
0x197: {  	_ =	strace $0x90000047  }
0x198: {  	s0 =	stileid.u32;
	[bflag:$0x2] =	sbarrier.arrive $0xFFFF  }
0x199: {  	p0 =	sne.s32 s0, $0x0;
	s0 =	rddreg [dreg:$0x3]  }
0x19a: {  	s0 =	sadd.s32 @!p0 $0x100000, s0  }
0x19b: {  	[sflag:s0] =	ssyncadd.tile.s32 @!p0 $0x1;
	_ =	shalt  }
.Lfunc_end2:
_tile_overlayer_lowered:
.L_overlay_start_2:
0x19c: {  	(tag) =	ssettag $0x2  }
0x19d: {  	s0 =	rddreg [dreg:$0x0];
	s2 =	stileid.u32  }
0x19e: {  	s1 =	rddreg [dreg:$0x1];
	p0 =	sne.s32 s2, $0x0  }
0x19f: {  	s3 =	rddreg [dreg:$0x2];
	[bflag:$0x3] =	sbarrier.arrive $0xFFFF;
	s2 =	simm.s32 @!p0 $0x1C1F  }
0x1a0: {  	[timem:s3], [sflag:s2] =	dma.local @!p0 [hbm:s0], s1  }
0x1a1: {  	s0 =	simm.s32 @!p0 $0x1F  }
0x1a2: {  	_ =	swait.ge @!p0 [sflag:s0], s1  }
0x1a3: {  	s1 =	ssub.s32 @!p0 $0x0, s1;
	[sflag:s0] =	ssyncset.done @!p0 $0x0  }
0x1a4: {  	[sflag:s0] =	ssyncadd.s32 @!p0 s1  }
0x1a5: {  	[bflag:$0x3] =	sbarrier.arrive $0xFFFF  }
0x1a6: {  	_ =	shalt  }

</sc_bundles>
